<compile_context>
chip_gen: v7x
topology: tpu7x:2x2x1
jax: 0.10.2.dev20260603
libtpu: 0.0.44.dev20260713+nightly
codegen_flags: <defaults>
</compile_context>

<pallas_src>
import functools

import jax
import jax.numpy as jnp
import numpy as np
from jax import lax
from jax.experimental import pallas as pl
from jax.experimental.pallas import tpu as pltpu
from jax.experimental.pallas import tpu_sc as plsc

NC = 2
NS = 16
NW = NC * NS

CHUNK = 128
LANES = 16


def _sc_aggregate(x, ei, zacc, zcnt, o16, rows_pad, chunks_per_w, extra):
    d = x.shape[1]
    rows_per_w = rows_pad // NS

    mesh = plsc.VectorSubcoreMesh(core_axis_name="c", subcore_axis_name="s")

    @functools.partial(
        pl.kernel,
        out_type=(
            jax.ShapeDtypeStruct((NC, rows_pad, d), jnp.float32),
            jax.ShapeDtypeStruct((NC, rows_pad, LANES), jnp.float32),
        ),
        mesh=mesh,
        compiler_params=pltpu.CompilerParams(use_tc_tiling_on_sc=False),
        scratch_types=[
            pltpu.VMEM((2, CHUNK), jnp.int32),
            pltpu.VMEM((2, CHUNK), jnp.int32),
            pltpu.VMEM((2, CHUNK), jnp.int32),
            pltpu.VMEM((2, CHUNK), jnp.int32),
            pltpu.VMEM((CHUNK, d), jnp.float32),
            pltpu.VMEM((CHUNK, d), jnp.float32),
            pltpu.VMEM((CHUNK, LANES), jnp.float32),
            pltpu.VMEM_SHARED((rows_pad, d), jnp.float32),
            pltpu.VMEM_SHARED((rows_pad, LANES), jnp.float32),
            pltpu.SemaphoreType.DMA,
            pltpu.SemaphoreType.DMA,
            pltpu.SemaphoreType.DMA,
            pltpu.SemaphoreType.DMA,
            pltpu.SemaphoreType.DMA,
            pltpu.SemaphoreType.DMA,
        ],
    )
    def k(x_hbm, ei_hbm, zacc_hbm, zcnt_hbm, o16_hbm, parts_hbm, cnts_hbm,
          iA, iB, iC, iD, buf0, buf1, ones_v, acc, cnt,
          sem0, sem1, semA, semB, semC, semD):
        cid = lax.axis_index("c")
        sid = lax.axis_index("s")
        wid = sid * NC + cid
        cbase = wid * chunks_per_w

        def iload(j, ib, sem):
            pltpu.async_copy(ei_hbm.at[0, j], ib.at[0], sem)
            pltpu.async_copy(ei_hbm.at[1, j], ib.at[1], sem)

        def iwait(ib, sem):
            pltpu.make_async_copy(ei_hbm.at[0, 0], ib.at[0], sem).wait()
            pltpu.make_async_copy(ei_hbm.at[1, 0], ib.at[1], sem).wait()

        def gather(ib, buf, sem):
            pltpu.async_copy(x_hbm.at[ib.at[0]], buf, sem)

        def gwait(ib, buf, sem):
            pltpu.make_async_copy(x_hbm.at[ib.at[0]], buf, sem).wait()

        def scatter(ib, buf):
            pltpu.sync_copy(buf, acc.at[ib.at[1]], add=True)
            pltpu.sync_copy(ones_v, cnt.at[ib.at[1]], add=True)

        iload(cbase + 0, iA, semA)
        iload(cbase + 1, iB, semB)
        iload(cbase + 2, iC, semC)
        iload(cbase + 3, iD, semD)
        iwait(iA, semA)
        gather(iA, buf0, sem0)

        row0 = pl.multiple_of(sid * rows_per_w, 8)
        pltpu.sync_copy(zacc_hbm.at[pl.ds(row0, rows_per_w)],
                        acc.at[pl.ds(row0, rows_per_w)])
        pltpu.sync_copy(zcnt_hbm.at[pl.ds(row0, rows_per_w)],
                        cnt.at[pl.ds(row0, rows_per_w)])
        pltpu.sync_copy(o16_hbm, ones_v)
        plsc.subcore_barrier()

        nquads, r = divmod(chunks_per_w, 4)

        def body(g, carry):
            q = cbase + g * 4
            iwait(iB, semB)
            gather(iB, buf1, sem1)
            gwait(iA, buf0, sem0)
            scatter(iA, buf0)
            iload(q + 4, iA, semA)
            iwait(iC, semC)
            gather(iC, buf0, sem0)
            gwait(iB, buf1, sem1)
            scatter(iB, buf1)
            iload(q + 5, iB, semB)
            iwait(iD, semD)
            gather(iD, buf1, sem1)
            gwait(iC, buf0, sem0)
            scatter(iC, buf0)
            iload(q + 6, iC, semC)
            iwait(iA, semA)
            gather(iA, buf0, sem0)
            gwait(iD, buf1, sem1)
            scatter(iD, buf1)
            iload(q + 7, iD, semD)
            return carry

        lax.fori_loop(0, nquads, body, 0)

        if r == 0:
            gwait(iA, buf0, sem0)
            iwait(iB, semB)
            iwait(iC, semC)
            iwait(iD, semD)
        elif r == 1:
            gwait(iA, buf0, sem0)
            scatter(iA, buf0)
            iwait(iB, semB)
            iwait(iC, semC)
            iwait(iD, semD)
        elif r == 2:
            iwait(iB, semB)
            gather(iB, buf1, sem1)
            gwait(iA, buf0, sem0)
            scatter(iA, buf0)
            gwait(iB, buf1, sem1)
            scatter(iB, buf1)
            iwait(iC, semC)
            iwait(iD, semD)
        else:
            iwait(iB, semB)
            gather(iB, buf1, sem1)
            gwait(iA, buf0, sem0)
            scatter(iA, buf0)
            iwait(iC, semC)
            gather(iC, buf0, sem0)
            gwait(iB, buf1, sem1)
            scatter(iB, buf1)
            gwait(iC, buf0, sem0)
            scatter(iC, buf0)
            iwait(iD, semD)

        if extra:
            @pl.when(wid < extra)
            def _():
                jx = NW * chunks_per_w + wid
                iload(jx, iA, semA)
                iwait(iA, semA)
                gather(iA, buf0, sem0)
                gwait(iA, buf0, sem0)
                scatter(iA, buf0)

        plsc.subcore_barrier()

        pltpu.sync_copy(
            acc.at[pl.ds(row0, rows_per_w)],
            parts_hbm.at[cid, pl.ds(row0, rows_per_w)],
        )
        pltpu.sync_copy(
            cnt.at[pl.ds(row0, rows_per_w)],
            cnts_hbm.at[cid, pl.ds(row0, rows_per_w)],
        )

    return k(x, ei, zacc, zcnt, o16)


def _tc_combine(parts, cnts, x, W_l, b_l, W_r, n, d_in, d_out):
    blk = 2000
    grid = -(-n // blk)
    b_l2 = b_l.reshape(1, d_out)

    def body(p_ref, c_ref, x_ref, wl_ref, bl_ref, wr_ref, o_ref):
        summed = (p_ref[0] + p_ref[1]).reshape(blk, d_in)
        cnt = jnp.maximum(c_ref[0, :, 0:1] + c_ref[1, :, 0:1], 1.0)
        mean = summed / cnt
        o_ref[...] = (
            lax.dot_general(mean, wl_ref[...], (((1,), (1,)), ((), ())),
                            preferred_element_type=jnp.float32)
            + bl_ref[...]
            + lax.dot_general(x_ref[...], wr_ref[...], (((1,), (1,)), ((), ())),
                              preferred_element_type=jnp.float32)
        )

    return pl.pallas_call(
        body,
        grid=(grid,),
        in_specs=[
            pl.BlockSpec((NC, blk // 8, 8, d_in), lambda i: (0, i, 0, 0)),
            pl.BlockSpec((NC, blk, LANES), lambda i: (0, i, 0)),
            pl.BlockSpec((blk, d_in), lambda i: (i, 0)),
            pl.BlockSpec((d_out, d_in), lambda i: (0, 0)),
            pl.BlockSpec((1, d_out), lambda i: (0, 0)),
            pl.BlockSpec((d_out, d_in), lambda i: (0, 0)),
        ],
        out_specs=pl.BlockSpec((blk, d_out), lambda i: (i, 0)),
        out_shape=jax.ShapeDtypeStruct((n, d_out), jnp.float32),
    )(parts, cnts, x, W_l, b_l2, W_r)


def kernel(x, edge_index, W_l, b_l, W_r):
    n, d_in = x.shape
    d_out = W_l.shape[0]
    e = edge_index.shape[1]

    rows_pad = ((n + LANES + NS * 8 - 1) // (NS * 8)) * (NS * 8)

    ei32 = edge_index.astype(jnp.int32)
    total_chunks = e // CHUNK
    if e % CHUNK == 0 and total_chunks % NW >= 4:
        ei = ei32.reshape(2, total_chunks, CHUNK)
    else:
        total_chunks = -(-e // CHUNK)
        if total_chunks % NW < 4:
            total_chunks += 4 - total_chunks % NW
        e_pad = total_chunks * CHUNK
        pad_ar = jnp.arange(e_pad - e, dtype=jnp.int32)
        src = jnp.concatenate([ei32[0], pad_ar % n])
        dst = jnp.concatenate([ei32[1], n + (pad_ar % LANES)])
        ei = jnp.stack([src, dst]).reshape(2, total_chunks, CHUNK)
    chunks_per_w, extra = divmod(total_chunks, NW)

    zacc = np.zeros((rows_pad, d_in), np.float32)
    zcnt = np.zeros((rows_pad, LANES), np.float32)
    o16 = np.ones((CHUNK, LANES), np.float32)
    parts, cnts = _sc_aggregate(x, ei, zacc, zcnt, o16, rows_pad,
                                chunks_per_w, extra)
    parts = parts.reshape(NC, rows_pad // 8, 8, d_in)
    return _tc_combine(parts, cnts, x, W_l, b_l, W_r, n, d_in, d_out)

# --- scband reference (transcript-rebuilt; emitter-appended) ---
"""Pipeline reference for scband-gnn-24249385353613 (READ-ONLY COPY).

The authoritative reference and input builder live on the scoring server;
editing this copy changes nothing except your own understanding.
"""

import jax, jax.numpy as jnp
import numpy as np

N = 10000
E = 320000
D_IN = 128
D_OUT = 128


def setup_inputs(seed: int = 0) -> dict:
    key = jax.random.key(seed)
    k_x, k_ei, k_wl, k_bl, k_wr = jax.random.split(key, 5)
    x = jax.random.normal(k_x, (N, D_IN), dtype=jnp.float32)
    edge_index = jax.random.randint(k_ei, (2, E), 0, N, dtype=jnp.int64)
    # SAGEConv parameters: lin_l (applied to aggregated neighbors, with bias),
    # lin_r (root/self weight, no bias) -- matches PyG SAGEConv defaults.
    W_l = jax.random.normal(k_wl, (D_OUT, D_IN), dtype=jnp.float32) * 0.05
    b_l = jax.random.normal(k_bl, (D_OUT,), dtype=jnp.float32) * 0.05
    W_r = jax.random.normal(k_wr, (D_OUT, D_IN), dtype=jnp.float32) * 0.05
    return {"x": x, "edge_index": edge_index, "W_l": W_l, "b_l": b_l, "W_r": W_r}


def reference(x, edge_index, W_l, b_l, W_r):
    src = edge_index[0]
    dst = edge_index[1]
    # gather messages from source nodes
    msgs = jnp.take(x, src, axis=0)
    # mean aggregation at destination nodes (scatter-add + count)
    summed = jax.ops.segment_sum(msgs, dst, num_segments=N)
    counts = jax.ops.segment_sum(jnp.ones((E,), dtype=jnp.float32), dst, num_segments=N)
    mean = summed / jnp.clip(counts, 1.0)[:, None]
    # SAGEConv: out = lin_l(mean_aggr) + lin_r(x)
    out = mean @ W_l.T + b_l + x @ W_r.T
    return out

if __name__ == "__main__":
    import jax
    _d = setup_inputs()
    print(jax.jit(kernel)(*tuple(_d.values())))

</pallas_src>

<mosaic_0001>
#map = affine_map<(d0, d1) -> (0, 0)>
#map1 = affine_map<(d0, d1) -> (0, 0, 0)>
module attributes {stable_mosaic.version = 14 : i64} {
  func.func @k(%arg0: i32, %arg1: i32, %arg2: memref<10000x128xf32, #tpu.memory_space<hbm>>, %arg3: memref<2x2500x128xi32, #tpu.memory_space<hbm>>, %arg4: memref<10112x128xf32, #tpu.memory_space<hbm>>, %arg5: memref<10112x16xf32, #tpu.memory_space<hbm>>, %arg6: memref<128x16xf32, #tpu.memory_space<hbm>>, %arg7: memref<2x10112x128xf32, #tpu.memory_space<hbm>>, %arg8: memref<2x10112x16xf32, #tpu.memory_space<hbm>>, %arg9: memref<2x128xi32, #tpu.memory_space<vmem>>, %arg10: memref<2x128xi32, #tpu.memory_space<vmem>>, %arg11: memref<2x128xi32, #tpu.memory_space<vmem>>, %arg12: memref<2x128xi32, #tpu.memory_space<vmem>>, %arg13: memref<128x128xf32, #tpu.memory_space<vmem>>, %arg14: memref<128x128xf32, #tpu.memory_space<vmem>>, %arg15: memref<128x16xf32, #tpu.memory_space<vmem>>, %arg16: memref<10112x128xf32, #tpu.memory_space<vmem_shared>>, %arg17: memref<10112x16xf32, #tpu.memory_space<vmem_shared>>, %arg18: memref<!tpu.dma_semaphore, #tpu.memory_space<semaphore_mem>>, %arg19: memref<!tpu.dma_semaphore, #tpu.memory_space<semaphore_mem>>, %arg20: memref<!tpu.dma_semaphore, #tpu.memory_space<semaphore_mem>>, %arg21: memref<!tpu.dma_semaphore, #tpu.memory_space<semaphore_mem>>, %arg22: memref<!tpu.dma_semaphore, #tpu.memory_space<semaphore_mem>>, %arg23: memref<!tpu.dma_semaphore, #tpu.memory_space<semaphore_mem>>) attributes {dimension_semantics = [#tpu.dimension_semantics<core_parallel>, #tpu.dimension_semantics<subcore_parallel>], iteration_bounds = array<i64: 2, 16>, scalar_prefetch = 0 : i64, scratch_operands = 15 : i64, tpu.core_type = #tpu.core_type<sc_vector_subcore>, window_params = [{transform_indices = #map}, {transform_indices = #map1}, {transform_indices = #map}, {transform_indices = #map}, {transform_indices = #map}, {transform_indices = #map1}, {transform_indices = #map1}]} {
    %mul3A = arith.constant 2 : i32
    %mul3A_0 = arith.muli %arg1, %mul3A : i32
    %add3A = arith.addi %mul3A_0, %arg0 : i32
    %mul3A_1 = arith.constant 78 : i32
    %mul3A_2 = arith.muli %add3A, %mul3A_1 : i32
    %add3A_3 = arith.constant 0 : i32
    %add3A_4 = arith.addi %mul3A_2, %add3A_3 : i32
    %dma_start3A = arith.constant 0 : i32
    %dma_start3A_5 = arith.constant 0 : i32
    %dma_start3A_6 = arith.constant 0 : i32
    %dma_start3A_7 = tpu.memref_slice %arg9[%dma_start3A_5, %dma_start3A_6] : memref<2x128xi32, #tpu.memory_space<vmem>> -> memref<1x128xi32, #tpu.memory_space<vmem>>
    %dma_start3A_8 = tpu.memref_squeeze %dma_start3A_7 : memref<1x128xi32, #tpu.memory_space<vmem>> -> memref<128xi32, #tpu.memory_space<vmem>>
    %dma_start3A_9 = arith.constant 0 : i32
    %dma_start3A_10 = tpu.memref_slice %arg3[%dma_start3A, %add3A_4, %dma_start3A_9] : memref<2x2500x128xi32, #tpu.memory_space<hbm>> -> memref<1x1x128xi32, #tpu.memory_space<hbm>>
    %dma_start3A_11 = tpu.memref_squeeze %dma_start3A_10 : memref<1x1x128xi32, #tpu.memory_space<hbm>> -> memref<128xi32, #tpu.memory_space<hbm>>
    %dma_start3A_12 = arith.constant 0 : i32
    %dma_start3A_13 = tpu.memref_slice %arg9[%dma_start3A_5, %dma_start3A_12] : memref<2x128xi32, #tpu.memory_space<vmem>> -> memref<1x128xi32, #tpu.memory_space<vmem>>
    %dma_start3A_14 = tpu.memref_squeeze %dma_start3A_13 : memref<1x128xi32, #tpu.memory_space<vmem>> -> memref<128xi32, #tpu.memory_space<vmem>>
    %dma_start3A_15 = arith.constant 0 : i32
    %dma_start3A_16 = tpu.memref_slice %arg3[%dma_start3A, %add3A_4, %dma_start3A_15] : memref<2x2500x128xi32, #tpu.memory_space<hbm>> -> memref<1x1x128xi32, #tpu.memory_space<hbm>>
    %dma_start3A_17 = tpu.memref_squeeze %dma_start3A_16 : memref<1x1x128xi32, #tpu.memory_space<hbm>> -> memref<128xi32, #tpu.memory_space<hbm>>
    tpu.enqueue_dma source(%dma_start3A_17 : memref<128xi32, #tpu.memory_space<hbm>>) target(%dma_start3A_14 : memref<128xi32, #tpu.memory_space<vmem>>) target_semaphore(%arg20 : memref<!tpu.dma_semaphore, #tpu.memory_space<semaphore_mem>>)
    %dma_start3A_18 = arith.constant 1 : i32
    %dma_start3A_19 = arith.constant 1 : i32
    %dma_start3A_20 = arith.constant 0 : i32
    %dma_start3A_21 = tpu.memref_slice %arg9[%dma_start3A_19, %dma_start3A_20] : memref<2x128xi32, #tpu.memory_space<vmem>> -> memref<1x128xi32, #tpu.memory_space<vmem>>
    %dma_start3A_22 = tpu.memref_squeeze %dma_start3A_21 : memref<1x128xi32, #tpu.memory_space<vmem>> -> memref<128xi32, #tpu.memory_space<vmem>>
    %dma_start3A_23 = arith.constant 0 : i32
    %dma_start3A_24 = tpu.memref_slice %arg3[%dma_start3A_18, %add3A_4, %dma_start3A_23] : memref<2x2500x128xi32, #tpu.memory_space<hbm>> -> memref<1x1x128xi32, #tpu.memory_space<hbm>>
    %dma_start3A_25 = tpu.memref_squeeze %dma_start3A_24 : memref<1x1x128xi32, #tpu.memory_space<hbm>> -> memref<128xi32, #tpu.memory_space<hbm>>
    %dma_start3A_26 = arith.constant 0 : i32
    %dma_start3A_27 = tpu.memref_slice %arg9[%dma_start3A_19, %dma_start3A_26] : memref<2x128xi32, #tpu.memory_space<vmem>> -> memref<1x128xi32, #tpu.memory_space<vmem>>
    %dma_start3A_28 = tpu.memref_squeeze %dma_start3A_27 : memref<1x128xi32, #tpu.memory_space<vmem>> -> memref<128xi32, #tpu.memory_space<vmem>>
    %dma_start3A_29 = arith.constant 0 : i32
    %dma_start3A_30 = tpu.memref_slice %arg3[%dma_start3A_18, %add3A_4, %dma_start3A_29] : memref<2x2500x128xi32, #tpu.memory_space<hbm>> -> memref<1x1x128xi32, #tpu.memory_space<hbm>>
    %dma_start3A_31 = tpu.memref_squeeze %dma_start3A_30 : memref<1x1x128xi32, #tpu.memory_space<hbm>> -> memref<128xi32, #tpu.memory_space<hbm>>
    tpu.enqueue_dma source(%dma_start3A_31 : memref<128xi32, #tpu.memory_space<hbm>>) target(%dma_start3A_28 : memref<128xi32, #tpu.memory_space<vmem>>) target_semaphore(%arg20 : memref<!tpu.dma_semaphore, #tpu.memory_space<semaphore_mem>>)
    %add3A_32 = arith.constant 1 : i32
    %add3A_33 = arith.addi %mul3A_2, %add3A_32 : i32
    %dma_start3A_34 = arith.constant 0 : i32
    %dma_start3A_35 = arith.constant 0 : i32
    %dma_start3A_36 = arith.constant 0 : i32
    %dma_start3A_37 = tpu.memref_slice %arg10[%dma_start3A_35, %dma_start3A_36] : memref<2x128xi32, #tpu.memory_space<vmem>> -> memref<1x128xi32, #tpu.memory_space<vmem>>
    %dma_start3A_38 = tpu.memref_squeeze %dma_start3A_37 : memref<1x128xi32, #tpu.memory_space<vmem>> -> memref<128xi32, #tpu.memory_space<vmem>>
    %dma_start3A_39 = arith.constant 0 : i32
    %dma_start3A_40 = tpu.memref_slice %arg3[%dma_start3A_34, %add3A_33, %dma_start3A_39] : memref<2x2500x128xi32, #tpu.memory_space<hbm>> -> memref<1x1x128xi32, #tpu.memory_space<hbm>>
    %dma_start3A_41 = tpu.memref_squeeze %dma_start3A_40 : memref<1x1x128xi32, #tpu.memory_space<hbm>> -> memref<128xi32, #tpu.memory_space<hbm>>
    %dma_start3A_42 = arith.constant 0 : i32
    %dma_start3A_43 = tpu.memref_slice %arg10[%dma_start3A_35, %dma_start3A_42] : memref<2x128xi32, #tpu.memory_space<vmem>> -> memref<1x128xi32, #tpu.memory_space<vmem>>
    %dma_start3A_44 = tpu.memref_squeeze %dma_start3A_43 : memref<1x128xi32, #tpu.memory_space<vmem>> -> memref<128xi32, #tpu.memory_space<vmem>>
    %dma_start3A_45 = arith.constant 0 : i32
    %dma_start3A_46 = tpu.memref_slice %arg3[%dma_start3A_34, %add3A_33, %dma_start3A_45] : memref<2x2500x128xi32, #tpu.memory_space<hbm>> -> memref<1x1x128xi32, #tpu.memory_space<hbm>>
    %dma_start3A_47 = tpu.memref_squeeze %dma_start3A_46 : memref<1x1x128xi32, #tpu.memory_space<hbm>> -> memref<128xi32, #tpu.memory_space<hbm>>
    tpu.enqueue_dma source(%dma_start3A_47 : memref<128xi32, #tpu.memory_space<hbm>>) target(%dma_start3A_44 : memref<128xi32, #tpu.memory_space<vmem>>) target_semaphore(%arg21 : memref<!tpu.dma_semaphore, #tpu.memory_space<semaphore_mem>>)
    %dma_start3A_48 = arith.constant 1 : i32
    %dma_start3A_49 = arith.constant 1 : i32
    %dma_start3A_50 = arith.constant 0 : i32
    %dma_start3A_51 = tpu.memref_slice %arg10[%dma_start3A_49, %dma_start3A_50] : memref<2x128xi32, #tpu.memory_space<vmem>> -> memref<1x128xi32, #tpu.memory_space<vmem>>
    %dma_start3A_52 = tpu.memref_squeeze %dma_start3A_51 : memref<1x128xi32, #tpu.memory_space<vmem>> -> memref<128xi32, #tpu.memory_space<vmem>>
    %dma_start3A_53 = arith.constant 0 : i32
    %dma_start3A_54 = tpu.memref_slice %arg3[%dma_start3A_48, %add3A_33, %dma_start3A_53] : memref<2x2500x128xi32, #tpu.memory_space<hbm>> -> memref<1x1x128xi32, #tpu.memory_space<hbm>>
    %dma_start3A_55 = tpu.memref_squeeze %dma_start3A_54 : memref<1x1x128xi32, #tpu.memory_space<hbm>> -> memref<128xi32, #tpu.memory_space<hbm>>
    %dma_start3A_56 = arith.constant 0 : i32
    %dma_start3A_57 = tpu.memref_slice %arg10[%dma_start3A_49, %dma_start3A_56] : memref<2x128xi32, #tpu.memory_space<vmem>> -> memref<1x128xi32, #tpu.memory_space<vmem>>
    %dma_start3A_58 = tpu.memref_squeeze %dma_start3A_57 : memref<1x128xi32, #tpu.memory_space<vmem>> -> memref<128xi32, #tpu.memory_space<vmem>>
    %dma_start3A_59 = arith.constant 0 : i32
    %dma_start3A_60 = tpu.memref_slice %arg3[%dma_start3A_48, %add3A_33, %dma_start3A_59] : memref<2x2500x128xi32, #tpu.memory_space<hbm>> -> memref<1x1x128xi32, #tpu.memory_space<hbm>>
    %dma_start3A_61 = tpu.memref_squeeze %dma_start3A_60 : memref<1x1x128xi32, #tpu.memory_space<hbm>> -> memref<128xi32, #tpu.memory_space<hbm>>
    tpu.enqueue_dma source(%dma_start3A_61 : memref<128xi32, #tpu.memory_space<hbm>>) target(%dma_start3A_58 : memref<128xi32, #tpu.memory_space<vmem>>) target_semaphore(%arg21 : memref<!tpu.dma_semaphore, #tpu.memory_space<semaphore_mem>>)
    %add3A_62 = arith.constant 2 : i32
    %add3A_63 = arith.addi %mul3A_2, %add3A_62 : i32
    %dma_start3A_64 = arith.constant 0 : i32
    %dma_start3A_65 = arith.constant 0 : i32
    %dma_start3A_66 = arith.constant 0 : i32
    %dma_start3A_67 = tpu.memref_slice %arg11[%dma_start3A_65, %dma_start3A_66] : memref<2x128xi32, #tpu.memory_space<vmem>> -> memref<1x128xi32, #tpu.memory_space<vmem>>
    %dma_start3A_68 = tpu.memref_squeeze %dma_start3A_67 : memref<1x128xi32, #tpu.memory_space<vmem>> -> memref<128xi32, #tpu.memory_space<vmem>>
    %dma_start3A_69 = arith.constant 0 : i32
    %dma_start3A_70 = tpu.memref_slice %arg3[%dma_start3A_64, %add3A_63, %dma_start3A_69] : memref<2x2500x128xi32, #tpu.memory_space<hbm>> -> memref<1x1x128xi32, #tpu.memory_space<hbm>>
    %dma_start3A_71 = tpu.memref_squeeze %dma_start3A_70 : memref<1x1x128xi32, #tpu.memory_space<hbm>> -> memref<128xi32, #tpu.memory_space<hbm>>
    %dma_start3A_72 = arith.constant 0 : i32
    %dma_start3A_73 = tpu.memref_slice %arg11[%dma_start3A_65, %dma_start3A_72] : memref<2x128xi32, #tpu.memory_space<vmem>> -> memref<1x128xi32, #tpu.memory_space<vmem>>
    %dma_start3A_74 = tpu.memref_squeeze %dma_start3A_73 : memref<1x128xi32, #tpu.memory_space<vmem>> -> memref<128xi32, #tpu.memory_space<vmem>>
    %dma_start3A_75 = arith.constant 0 : i32
    %dma_start3A_76 = tpu.memref_slice %arg3[%dma_start3A_64, %add3A_63, %dma_start3A_75] : memref<2x2500x128xi32, #tpu.memory_space<hbm>> -> memref<1x1x128xi32, #tpu.memory_space<hbm>>
    %dma_start3A_77 = tpu.memref_squeeze %dma_start3A_76 : memref<1x1x128xi32, #tpu.memory_space<hbm>> -> memref<128xi32, #tpu.memory_space<hbm>>
    tpu.enqueue_dma source(%dma_start3A_77 : memref<128xi32, #tpu.memory_space<hbm>>) target(%dma_start3A_74 : memref<128xi32, #tpu.memory_space<vmem>>) target_semaphore(%arg22 : memref<!tpu.dma_semaphore, #tpu.memory_space<semaphore_mem>>)
    %dma_start3A_78 = arith.constant 1 : i32
    %dma_start3A_79 = arith.constant 1 : i32
    %dma_start3A_80 = arith.constant 0 : i32
    %dma_start3A_81 = tpu.memref_slice %arg11[%dma_start3A_79, %dma_start3A_80] : memref<2x128xi32, #tpu.memory_space<vmem>> -> memref<1x128xi32, #tpu.memory_space<vmem>>
    %dma_start3A_82 = tpu.memref_squeeze %dma_start3A_81 : memref<1x128xi32, #tpu.memory_space<vmem>> -> memref<128xi32, #tpu.memory_space<vmem>>
    %dma_start3A_83 = arith.constant 0 : i32
    %dma_start3A_84 = tpu.memref_slice %arg3[%dma_start3A_78, %add3A_63, %dma_start3A_83] : memref<2x2500x128xi32, #tpu.memory_space<hbm>> -> memref<1x1x128xi32, #tpu.memory_space<hbm>>
    %dma_start3A_85 = tpu.memref_squeeze %dma_start3A_84 : memref<1x1x128xi32, #tpu.memory_space<hbm>> -> memref<128xi32, #tpu.memory_space<hbm>>
    %dma_start3A_86 = arith.constant 0 : i32
    %dma_start3A_87 = tpu.memref_slice %arg11[%dma_start3A_79, %dma_start3A_86] : memref<2x128xi32, #tpu.memory_space<vmem>> -> memref<1x128xi32, #tpu.memory_space<vmem>>
    %dma_start3A_88 = tpu.memref_squeeze %dma_start3A_87 : memref<1x128xi32, #tpu.memory_space<vmem>> -> memref<128xi32, #tpu.memory_space<vmem>>
    %dma_start3A_89 = arith.constant 0 : i32
    %dma_start3A_90 = tpu.memref_slice %arg3[%dma_start3A_78, %add3A_63, %dma_start3A_89] : memref<2x2500x128xi32, #tpu.memory_space<hbm>> -> memref<1x1x128xi32, #tpu.memory_space<hbm>>
    %dma_start3A_91 = tpu.memref_squeeze %dma_start3A_90 : memref<1x1x128xi32, #tpu.memory_space<hbm>> -> memref<128xi32, #tpu.memory_space<hbm>>
    tpu.enqueue_dma source(%dma_start3A_91 : memref<128xi32, #tpu.memory_space<hbm>>) target(%dma_start3A_88 : memref<128xi32, #tpu.memory_space<vmem>>) target_semaphore(%arg22 : memref<!tpu.dma_semaphore, #tpu.memory_space<semaphore_mem>>)
    %add3A_92 = arith.constant 3 : i32
    %add3A_93 = arith.addi %mul3A_2, %add3A_92 : i32
    %dma_start3A_94 = arith.constant 0 : i32
    %dma_start3A_95 = arith.constant 0 : i32
    %dma_start3A_96 = arith.constant 0 : i32
    %dma_start3A_97 = tpu.memref_slice %arg12[%dma_start3A_95, %dma_start3A_96] : memref<2x128xi32, #tpu.memory_space<vmem>> -> memref<1x128xi32, #tpu.memory_space<vmem>>
    %dma_start3A_98 = tpu.memref_squeeze %dma_start3A_97 : memref<1x128xi32, #tpu.memory_space<vmem>> -> memref<128xi32, #tpu.memory_space<vmem>>
    %dma_start3A_99 = arith.constant 0 : i32
    %dma_start3A_100 = tpu.memref_slice %arg3[%dma_start3A_94, %add3A_93, %dma_start3A_99] : memref<2x2500x128xi32, #tpu.memory_space<hbm>> -> memref<1x1x128xi32, #tpu.memory_space<hbm>>
    %dma_start3A_101 = tpu.memref_squeeze %dma_start3A_100 : memref<1x1x128xi32, #tpu.memory_space<hbm>> -> memref<128xi32, #tpu.memory_space<hbm>>
    %dma_start3A_102 = arith.constant 0 : i32
    %dma_start3A_103 = tpu.memref_slice %arg12[%dma_start3A_95, %dma_start3A_102] : memref<2x128xi32, #tpu.memory_space<vmem>> -> memref<1x128xi32, #tpu.memory_space<vmem>>
    %dma_start3A_104 = tpu.memref_squeeze %dma_start3A_103 : memref<1x128xi32, #tpu.memory_space<vmem>> -> memref<128xi32, #tpu.memory_space<vmem>>
    %dma_start3A_105 = arith.constant 0 : i32
    %dma_start3A_106 = tpu.memref_slice %arg3[%dma_start3A_94, %add3A_93, %dma_start3A_105] : memref<2x2500x128xi32, #tpu.memory_space<hbm>> -> memref<1x1x128xi32, #tpu.memory_space<hbm>>
    %dma_start3A_107 = tpu.memref_squeeze %dma_start3A_106 : memref<1x1x128xi32, #tpu.memory_space<hbm>> -> memref<128xi32, #tpu.memory_space<hbm>>
    tpu.enqueue_dma source(%dma_start3A_107 : memref<128xi32, #tpu.memory_space<hbm>>) target(%dma_start3A_104 : memref<128xi32, #tpu.memory_space<vmem>>) target_semaphore(%arg23 : memref<!tpu.dma_semaphore, #tpu.memory_space<semaphore_mem>>)
    %dma_start3A_108 = arith.constant 1 : i32
    %dma_start3A_109 = arith.constant 1 : i32
    %dma_start3A_110 = arith.constant 0 : i32
    %dma_start3A_111 = tpu.memref_slice %arg12[%dma_start3A_109, %dma_start3A_110] : memref<2x128xi32, #tpu.memory_space<vmem>> -> memref<1x128xi32, #tpu.memory_space<vmem>>
    %dma_start3A_112 = tpu.memref_squeeze %dma_start3A_111 : memref<1x128xi32, #tpu.memory_space<vmem>> -> memref<128xi32, #tpu.memory_space<vmem>>
    %dma_start3A_113 = arith.constant 0 : i32
    %dma_start3A_114 = tpu.memref_slice %arg3[%dma_start3A_108, %add3A_93, %dma_start3A_113] : memref<2x2500x128xi32, #tpu.memory_space<hbm>> -> memref<1x1x128xi32, #tpu.memory_space<hbm>>
    %dma_start3A_115 = tpu.memref_squeeze %dma_start3A_114 : memref<1x1x128xi32, #tpu.memory_space<hbm>> -> memref<128xi32, #tpu.memory_space<hbm>>
    %dma_start3A_116 = arith.constant 0 : i32
    %dma_start3A_117 = tpu.memref_slice %arg12[%dma_start3A_109, %dma_start3A_116] : memref<2x128xi32, #tpu.memory_space<vmem>> -> memref<1x128xi32, #tpu.memory_space<vmem>>
    %dma_start3A_118 = tpu.memref_squeeze %dma_start3A_117 : memref<1x128xi32, #tpu.memory_space<vmem>> -> memref<128xi32, #tpu.memory_space<vmem>>
    %dma_start3A_119 = arith.constant 0 : i32
    %dma_start3A_120 = tpu.memref_slice %arg3[%dma_start3A_108, %add3A_93, %dma_start3A_119] : memref<2x2500x128xi32, #tpu.memory_space<hbm>> -> memref<1x1x128xi32, #tpu.memory_space<hbm>>
    %dma_start3A_121 = tpu.memref_squeeze %dma_start3A_120 : memref<1x1x128xi32, #tpu.memory_space<hbm>> -> memref<128xi32, #tpu.memory_space<hbm>>
    tpu.enqueue_dma source(%dma_start3A_121 : memref<128xi32, #tpu.memory_space<hbm>>) target(%dma_start3A_118 : memref<128xi32, #tpu.memory_space<vmem>>) target_semaphore(%arg23 : memref<!tpu.dma_semaphore, #tpu.memory_space<semaphore_mem>>)
    %dma_wait3A = arith.constant 0 : i32
    %dma_wait3A_122 = arith.constant 0 : i32
    %dma_wait3A_123 = arith.constant 0 : i32
    %dma_wait3A_124 = arith.constant 0 : i32
    %dma_wait3A_125 = tpu.memref_slice %arg9[%dma_wait3A_123, %dma_wait3A_124] : memref<2x128xi32, #tpu.memory_space<vmem>> -> memref<1x128xi32, #tpu.memory_space<vmem>>
    %dma_wait3A_126 = tpu.memref_squeeze %dma_wait3A_125 : memref<1x128xi32, #tpu.memory_space<vmem>> -> memref<128xi32, #tpu.memory_space<vmem>>
    %dma_wait3A_127 = arith.constant 0 : i32
    %dma_wait3A_128 = tpu.memref_slice %arg3[%dma_wait3A, %dma_wait3A_122, %dma_wait3A_127] : memref<2x2500x128xi32, #tpu.memory_space<hbm>> -> memref<1x1x128xi32, #tpu.memory_space<hbm>>
    %dma_wait3A_129 = tpu.memref_squeeze %dma_wait3A_128 : memref<1x1x128xi32, #tpu.memory_space<hbm>> -> memref<128xi32, #tpu.memory_space<hbm>>
    %dma_wait3A_130 = arith.constant 0 : i32
    %dma_wait3A_131 = tpu.memref_slice %arg9[%dma_wait3A_123, %dma_wait3A_130] : memref<2x128xi32, #tpu.memory_space<vmem>> -> memref<1x128xi32, #tpu.memory_space<vmem>>
    %dma_wait3A_132 = tpu.memref_squeeze %dma_wait3A_131 : memref<1x128xi32, #tpu.memory_space<vmem>> -> memref<128xi32, #tpu.memory_space<vmem>>
    %dma_wait3A_133 = arith.constant 0 : i32
    %dma_wait3A_134 = tpu.memref_slice %arg3[%dma_wait3A, %dma_wait3A_122, %dma_wait3A_133] : memref<2x2500x128xi32, #tpu.memory_space<hbm>> -> memref<1x1x128xi32, #tpu.memory_space<hbm>>
    %dma_wait3A_135 = tpu.memref_squeeze %dma_wait3A_134 : memref<1x1x128xi32, #tpu.memory_space<hbm>> -> memref<128xi32, #tpu.memory_space<hbm>>
    tpu.wait_dma2 semaphore(%arg20 : memref<!tpu.dma_semaphore, #tpu.memory_space<semaphore_mem>>) src(%dma_wait3A_135 : memref<128xi32, #tpu.memory_space<hbm>>) dst(%dma_wait3A_132 : memref<128xi32, #tpu.memory_space<vmem>>)
    %dma_wait3A_136 = arith.constant 1 : i32
    %dma_wait3A_137 = arith.constant 0 : i32
    %dma_wait3A_138 = arith.constant 1 : i32
    %dma_wait3A_139 = arith.constant 0 : i32
    %dma_wait3A_140 = tpu.memref_slice %arg9[%dma_wait3A_138, %dma_wait3A_139] : memref<2x128xi32, #tpu.memory_space<vmem>> -> memref<1x128xi32, #tpu.memory_space<vmem>>
    %dma_wait3A_141 = tpu.memref_squeeze %dma_wait3A_140 : memref<1x128xi32, #tpu.memory_space<vmem>> -> memref<128xi32, #tpu.memory_space<vmem>>
    %dma_wait3A_142 = arith.constant 0 : i32
    %dma_wait3A_143 = tpu.memref_slice %arg3[%dma_wait3A_136, %dma_wait3A_137, %dma_wait3A_142] : memref<2x2500x128xi32, #tpu.memory_space<hbm>> -> memref<1x1x128xi32, #tpu.memory_space<hbm>>
    %dma_wait3A_144 = tpu.memref_squeeze %dma_wait3A_143 : memref<1x1x128xi32, #tpu.memory_space<hbm>> -> memref<128xi32, #tpu.memory_space<hbm>>
    %dma_wait3A_145 = arith.constant 0 : i32
    %dma_wait3A_146 = tpu.memref_slice %arg9[%dma_wait3A_138, %dma_wait3A_145] : memref<2x128xi32, #tpu.memory_space<vmem>> -> memref<1x128xi32, #tpu.memory_space<vmem>>
    %dma_wait3A_147 = tpu.memref_squeeze %dma_wait3A_146 : memref<1x128xi32, #tpu.memory_space<vmem>> -> memref<128xi32, #tpu.memory_space<vmem>>
    %dma_wait3A_148 = arith.constant 0 : i32
    %dma_wait3A_149 = tpu.memref_slice %arg3[%dma_wait3A_136, %dma_wait3A_137, %dma_wait3A_148] : memref<2x2500x128xi32, #tpu.memory_space<hbm>> -> memref<1x1x128xi32, #tpu.memory_space<hbm>>
    %dma_wait3A_150 = tpu.memref_squeeze %dma_wait3A_149 : memref<1x1x128xi32, #tpu.memory_space<hbm>> -> memref<128xi32, #tpu.memory_space<hbm>>
    tpu.wait_dma2 semaphore(%arg20 : memref<!tpu.dma_semaphore, #tpu.memory_space<semaphore_mem>>) src(%dma_wait3A_150 : memref<128xi32, #tpu.memory_space<hbm>>) dst(%dma_wait3A_147 : memref<128xi32, #tpu.memory_space<vmem>>)
    %dma_start3A_151 = arith.constant 0 : i32
    %dma_start3A_152 = arith.constant 0 : i32
    %dma_start3A_153 = tpu.memref_slice %arg9[%dma_start3A_151, %dma_start3A_152] : memref<2x128xi32, #tpu.memory_space<vmem>> -> memref<1x128xi32, #tpu.memory_space<vmem>>
    %dma_start3A_154 = tpu.memref_squeeze %dma_start3A_153 : memref<1x128xi32, #tpu.memory_space<vmem>> -> memref<128xi32, #tpu.memory_space<vmem>>
    %dma_start3A_155 = arith.constant 0 : i32
    %dma_start3A_156 = arith.constant 0 : i32
    %dma_start3A_157 = tpu.memref_slice %arg2[%dma_start3A_155, %dma_start3A_156] : memref<10000x128xf32, #tpu.memory_space<hbm>> -> memref<10000x128xf32, #tpu.memory_space<hbm>>
    tpu.enqueue_indirect_dma source(%dma_start3A_157 : memref<10000x128xf32, #tpu.memory_space<hbm>>) target(%arg13 : memref<128x128xf32, #tpu.memory_space<vmem>>) offsets(%dma_start3A_154 : memref<128xi32, #tpu.memory_space<vmem>>) semaphore(%arg18 : memref<!tpu.dma_semaphore, #tpu.memory_space<semaphore_mem>>)
    %mul3A_158 = arith.constant 632 : i32
    %mul3A_159 = arith.muli %arg1, %mul3A_158 : i32
    %multiple_of3A = tpu.assume_multiple %mul3A_159, 8 : i32
    "tpu.region"() ({
      %run_scoped3A_282 = tpu.sem_alloc : memref<!tpu.dma_semaphore, #tpu.memory_space<semaphore_mem>>
      %dma_start3A_283 = arith.constant 0 : i32
      %dma_start3A_284 = tpu.memref_slice %arg16[%multiple_of3A, %dma_start3A_283] : memref<10112x128xf32, #tpu.memory_space<vmem_shared>> -> memref<632x128xf32, #tpu.memory_space<vmem_shared>>
      %dma_start3A_285 = arith.constant 0 : i32
      %dma_start3A_286 = tpu.memref_slice %arg4[%multiple_of3A, %dma_start3A_285] : memref<10112x128xf32, #tpu.memory_space<hbm>> -> memref<632x128xf32, #tpu.memory_space<hbm>>
      tpu.enqueue_dma source(%dma_start3A_286 : memref<632x128xf32, #tpu.memory_space<hbm>>) target(%dma_start3A_284 : memref<632x128xf32, #tpu.memory_space<vmem_shared>>) target_semaphore(%run_scoped3A_282 : memref<!tpu.dma_semaphore, #tpu.memory_space<semaphore_mem>>)
      %dma_wait3A_287 = arith.constant 0 : i32
      %dma_wait3A_288 = tpu.memref_slice %arg16[%multiple_of3A, %dma_wait3A_287] : memref<10112x128xf32, #tpu.memory_space<vmem_shared>> -> memref<632x128xf32, #tpu.memory_space<vmem_shared>>
      %dma_wait3A_289 = arith.constant 0 : i32
      %dma_wait3A_290 = tpu.memref_slice %arg4[%multiple_of3A, %dma_wait3A_289] : memref<10112x128xf32, #tpu.memory_space<hbm>> -> memref<632x128xf32, #tpu.memory_space<hbm>>
      tpu.wait_dma2 semaphore(%run_scoped3A_282 : memref<!tpu.dma_semaphore, #tpu.memory_space<semaphore_mem>>) src(%dma_wait3A_290 : memref<632x128xf32, #tpu.memory_space<hbm>>) dst(%dma_wait3A_288 : memref<632x128xf32, #tpu.memory_space<vmem_shared>>)
      tpu.yield
    }) : () -> ()
    "tpu.region"() ({
      %run_scoped3A_282 = tpu.sem_alloc : memref<!tpu.dma_semaphore, #tpu.memory_space<semaphore_mem>>
      %dma_start3A_283 = arith.constant 0 : i32
      %dma_start3A_284 = tpu.memref_slice %arg17[%multiple_of3A, %dma_start3A_283] : memref<10112x16xf32, #tpu.memory_space<vmem_shared>> -> memref<632x16xf32, #tpu.memory_space<vmem_shared>>
      %dma_start3A_285 = arith.constant 0 : i32
      %dma_start3A_286 = tpu.memref_slice %arg5[%multiple_of3A, %dma_start3A_285] : memref<10112x16xf32, #tpu.memory_space<hbm>> -> memref<632x16xf32, #tpu.memory_space<hbm>>
      tpu.enqueue_dma source(%dma_start3A_286 : memref<632x16xf32, #tpu.memory_space<hbm>>) target(%dma_start3A_284 : memref<632x16xf32, #tpu.memory_space<vmem_shared>>) target_semaphore(%run_scoped3A_282 : memref<!tpu.dma_semaphore, #tpu.memory_space<semaphore_mem>>)
      %dma_wait3A_287 = arith.constant 0 : i32
      %dma_wait3A_288 = tpu.memref_slice %arg17[%multiple_of3A, %dma_wait3A_287] : memref<10112x16xf32, #tpu.memory_space<vmem_shared>> -> memref<632x16xf32, #tpu.memory_space<vmem_shared>>
      %dma_wait3A_289 = arith.constant 0 : i32
      %dma_wait3A_290 = tpu.memref_slice %arg5[%multiple_of3A, %dma_wait3A_289] : memref<10112x16xf32, #tpu.memory_space<hbm>> -> memref<632x16xf32, #tpu.memory_space<hbm>>
      tpu.wait_dma2 semaphore(%run_scoped3A_282 : memref<!tpu.dma_semaphore, #tpu.memory_space<semaphore_mem>>) src(%dma_wait3A_290 : memref<632x16xf32, #tpu.memory_space<hbm>>) dst(%dma_wait3A_288 : memref<632x16xf32, #tpu.memory_space<vmem_shared>>)
      tpu.yield
    }) : () -> ()
    "tpu.region"() ({
      %run_scoped3A_282 = tpu.sem_alloc : memref<!tpu.dma_semaphore, #tpu.memory_space<semaphore_mem>>
      tpu.enqueue_dma source(%arg6 : memref<128x16xf32, #tpu.memory_space<hbm>>) target(%arg15 : memref<128x16xf32, #tpu.memory_space<vmem>>) target_semaphore(%run_scoped3A_282 : memref<!tpu.dma_semaphore, #tpu.memory_space<semaphore_mem>>)
      tpu.wait_dma2 semaphore(%run_scoped3A_282 : memref<!tpu.dma_semaphore, #tpu.memory_space<semaphore_mem>>) src(%arg6 : memref<128x16xf32, #tpu.memory_space<hbm>>) dst(%arg15 : memref<128x16xf32, #tpu.memory_space<vmem>>)
      tpu.yield
    }) : () -> ()
    %barrier3A = arith.constant 0 : index
    tpu.barrier barrier_id(%barrier3A)
    %scan3A = arith.constant 0 : i32
    %scan3A_160 = arith.constant 0 : i32
    %scan3A_161 = arith.constant 19 : i32
    %scan3A_162 = arith.addi %scan3A_160, %scan3A_161 : i32
    %scan3A_163 = arith.constant 1 : i32
    scf.for %scan3A_282 = %scan3A_160 to %scan3A_162 step %scan3A_163  : i32 {
      %mul3A_283 = arith.constant 4 : i32
      %mul3A_284 = arith.muli %scan3A_282, %mul3A_283 : i32
      %add3A_285 = arith.addi %mul3A_2, %mul3A_284 : i32
      %dma_wait3A_286 = arith.constant 0 : i32
      %dma_wait3A_287 = arith.constant 0 : i32
      %dma_wait3A_288 = arith.constant 0 : i32
      %dma_wait3A_289 = arith.constant 0 : i32
      %dma_wait3A_290 = tpu.memref_slice %arg10[%dma_wait3A_288, %dma_wait3A_289] : memref<2x128xi32, #tpu.memory_space<vmem>> -> memref<1x128xi32, #tpu.memory_space<vmem>>
      %dma_wait3A_291 = tpu.memref_squeeze %dma_wait3A_290 : memref<1x128xi32, #tpu.memory_space<vmem>> -> memref<128xi32, #tpu.memory_space<vmem>>
      %dma_wait3A_292 = arith.constant 0 : i32
      %dma_wait3A_293 = tpu.memref_slice %arg3[%dma_wait3A_286, %dma_wait3A_287, %dma_wait3A_292] : memref<2x2500x128xi32, #tpu.memory_space<hbm>> -> memref<1x1x128xi32, #tpu.memory_space<hbm>>
      %dma_wait3A_294 = tpu.memref_squeeze %dma_wait3A_293 : memref<1x1x128xi32, #tpu.memory_space<hbm>> -> memref<128xi32, #tpu.memory_space<hbm>>
      %dma_wait3A_295 = arith.constant 0 : i32
      %dma_wait3A_296 = tpu.memref_slice %arg10[%dma_wait3A_288, %dma_wait3A_295] : memref<2x128xi32, #tpu.memory_space<vmem>> -> memref<1x128xi32, #tpu.memory_space<vmem>>
      %dma_wait3A_297 = tpu.memref_squeeze %dma_wait3A_296 : memref<1x128xi32, #tpu.memory_space<vmem>> -> memref<128xi32, #tpu.memory_space<vmem>>
      %dma_wait3A_298 = arith.constant 0 : i32
      %dma_wait3A_299 = tpu.memref_slice %arg3[%dma_wait3A_286, %dma_wait3A_287, %dma_wait3A_298] : memref<2x2500x128xi32, #tpu.memory_space<hbm>> -> memref<1x1x128xi32, #tpu.memory_space<hbm>>
      %dma_wait3A_300 = tpu.memref_squeeze %dma_wait3A_299 : memref<1x1x128xi32, #tpu.memory_space<hbm>> -> memref<128xi32, #tpu.memory_space<hbm>>
      tpu.wait_dma2 semaphore(%arg21 : memref<!tpu.dma_semaphore, #tpu.memory_space<semaphore_mem>>) src(%dma_wait3A_300 : memref<128xi32, #tpu.memory_space<hbm>>) dst(%dma_wait3A_297 : memref<128xi32, #tpu.memory_space<vmem>>)
      %dma_wait3A_301 = arith.constant 1 : i32
      %dma_wait3A_302 = arith.constant 0 : i32
      %dma_wait3A_303 = arith.constant 1 : i32
      %dma_wait3A_304 = arith.constant 0 : i32
      %dma_wait3A_305 = tpu.memref_slice %arg10[%dma_wait3A_303, %dma_wait3A_304] : memref<2x128xi32, #tpu.memory_space<vmem>> -> memref<1x128xi32, #tpu.memory_space<vmem>>
      %dma_wait3A_306 = tpu.memref_squeeze %dma_wait3A_305 : memref<1x128xi32, #tpu.memory_space<vmem>> -> memref<128xi32, #tpu.memory_space<vmem>>
      %dma_wait3A_307 = arith.constant 0 : i32
      %dma_wait3A_308 = tpu.memref_slice %arg3[%dma_wait3A_301, %dma_wait3A_302, %dma_wait3A_307] : memref<2x2500x128xi32, #tpu.memory_space<hbm>> -> memref<1x1x128xi32, #tpu.memory_space<hbm>>
      %dma_wait3A_309 = tpu.memref_squeeze %dma_wait3A_308 : memref<1x1x128xi32, #tpu.memory_space<hbm>> -> memref<128xi32, #tpu.memory_space<hbm>>
      %dma_wait3A_310 = arith.constant 0 : i32
      %dma_wait3A_311 = tpu.memref_slice %arg10[%dma_wait3A_303, %dma_wait3A_310] : memref<2x128xi32, #tpu.memory_space<vmem>> -> memref<1x128xi32, #tpu.memory_space<vmem>>
      %dma_wait3A_312 = tpu.memref_squeeze %dma_wait3A_311 : memref<1x128xi32, #tpu.memory_space<vmem>> -> memref<128xi32, #tpu.memory_space<vmem>>
      %dma_wait3A_313 = arith.constant 0 : i32
      %dma_wait3A_314 = tpu.memref_slice %arg3[%dma_wait3A_301, %dma_wait3A_302, %dma_wait3A_313] : memref<2x2500x128xi32, #tpu.memory_space<hbm>> -> memref<1x1x128xi32, #tpu.memory_space<hbm>>
      %dma_wait3A_315 = tpu.memref_squeeze %dma_wait3A_314 : memref<1x1x128xi32, #tpu.memory_space<hbm>> -> memref<128xi32, #tpu.memory_space<hbm>>
      tpu.wait_dma2 semaphore(%arg21 : memref<!tpu.dma_semaphore, #tpu.memory_space<semaphore_mem>>) src(%dma_wait3A_315 : memref<128xi32, #tpu.memory_space<hbm>>) dst(%dma_wait3A_312 : memref<128xi32, #tpu.memory_space<vmem>>)
      %dma_start3A_316 = arith.constant 0 : i32
      %dma_start3A_317 = arith.constant 0 : i32
      %dma_start3A_318 = tpu.memref_slice %arg10[%dma_start3A_316, %dma_start3A_317] : memref<2x128xi32, #tpu.memory_space<vmem>> -> memref<1x128xi32, #tpu.memory_space<vmem>>
      %dma_start3A_319 = tpu.memref_squeeze %dma_start3A_318 : memref<1x128xi32, #tpu.memory_space<vmem>> -> memref<128xi32, #tpu.memory_space<vmem>>
      %dma_start3A_320 = arith.constant 0 : i32
      %dma_start3A_321 = arith.constant 0 : i32
      %dma_start3A_322 = tpu.memref_slice %arg2[%dma_start3A_320, %dma_start3A_321] : memref<10000x128xf32, #tpu.memory_space<hbm>> -> memref<10000x128xf32, #tpu.memory_space<hbm>>
      tpu.enqueue_indirect_dma source(%dma_start3A_322 : memref<10000x128xf32, #tpu.memory_space<hbm>>) target(%arg14 : memref<128x128xf32, #tpu.memory_space<vmem>>) offsets(%dma_start3A_319 : memref<128xi32, #tpu.memory_space<vmem>>) semaphore(%arg19 : memref<!tpu.dma_semaphore, #tpu.memory_space<semaphore_mem>>)
      %dma_wait3A_323 = arith.constant 0 : i32
      %dma_wait3A_324 = arith.constant 0 : i32
      %dma_wait3A_325 = tpu.memref_slice %arg9[%dma_wait3A_323, %dma_wait3A_324] : memref<2x128xi32, #tpu.memory_space<vmem>> -> memref<1x128xi32, #tpu.memory_space<vmem>>
      %dma_wait3A_326 = tpu.memref_squeeze %dma_wait3A_325 : memref<1x128xi32, #tpu.memory_space<vmem>> -> memref<128xi32, #tpu.memory_space<vmem>>
      %dma_wait3A_327 = arith.constant 0 : i32
      %dma_wait3A_328 = arith.constant 0 : i32
      %dma_wait3A_329 = tpu.memref_slice %arg2[%dma_wait3A_327, %dma_wait3A_328] : memref<10000x128xf32, #tpu.memory_space<hbm>> -> memref<10000x128xf32, #tpu.memory_space<hbm>>
      tpu.wait_indirect_dma semaphore(%arg18 : memref<!tpu.dma_semaphore, #tpu.memory_space<semaphore_mem>>) src(%dma_wait3A_329 : memref<10000x128xf32, #tpu.memory_space<hbm>>) dst(%arg13 : memref<128x128xf32, #tpu.memory_space<vmem>>)
      %run_scoped3A_330 = arith.constant 1 : i32
      "tpu.region"() ({
        %run_scoped3A_590 = tpu.sem_alloc : memref<!tpu.dma_semaphore, #tpu.memory_space<semaphore_mem>>
        %dma_start3A_591 = arith.constant 0 : i32
        %dma_start3A_592 = tpu.memref_slice %arg9[%run_scoped3A_330, %dma_start3A_591] : memref<2x128xi32, #tpu.memory_space<vmem>> -> memref<1x128xi32, #tpu.memory_space<vmem>>
        %dma_start3A_593 = tpu.memref_squeeze %dma_start3A_592 : memref<1x128xi32, #tpu.memory_space<vmem>> -> memref<128xi32, #tpu.memory_space<vmem>>
        %dma_start3A_594 = arith.constant 0 : i32
        %dma_start3A_595 = arith.constant 0 : i32
        %dma_start3A_596 = tpu.memref_slice %arg16[%dma_start3A_594, %dma_start3A_595] : memref<10112x128xf32, #tpu.memory_space<vmem_shared>> -> memref<10112x128xf32, #tpu.memory_space<vmem_shared>>
        tpu.enqueue_indirect_dma source(%arg13 : memref<128x128xf32, #tpu.memory_space<vmem>>) target(%dma_start3A_596 : memref<10112x128xf32, #tpu.memory_space<vmem_shared>>) offsets(%dma_start3A_593 : memref<128xi32, #tpu.memory_space<vmem>>) semaphore(%run_scoped3A_590 : memref<!tpu.dma_semaphore, #tpu.memory_space<semaphore_mem>>) {add = true}
        %dma_wait3A_597 = arith.constant 0 : i32
        %dma_wait3A_598 = tpu.memref_slice %arg9[%run_scoped3A_330, %dma_wait3A_597] : memref<2x128xi32, #tpu.memory_space<vmem>> -> memref<1x128xi32, #tpu.memory_space<vmem>>
        %dma_wait3A_599 = tpu.memref_squeeze %dma_wait3A_598 : memref<1x128xi32, #tpu.memory_space<vmem>> -> memref<128xi32, #tpu.memory_space<vmem>>
        %dma_wait3A_600 = arith.constant 0 : i32
        %dma_wait3A_601 = arith.constant 0 : i32
        %dma_wait3A_602 = tpu.memref_slice %arg16[%dma_wait3A_600, %dma_wait3A_601] : memref<10112x128xf32, #tpu.memory_space<vmem_shared>> -> memref<10112x128xf32, #tpu.memory_space<vmem_shared>>
        tpu.wait_indirect_dma semaphore(%run_scoped3A_590 : memref<!tpu.dma_semaphore, #tpu.memory_space<semaphore_mem>>) src(%arg13 : memref<128x128xf32, #tpu.memory_space<vmem>>) dst(%dma_wait3A_602 : memref<10112x128xf32, #tpu.memory_space<vmem_shared>>)
        tpu.yield
      }) : () -> ()
      %run_scoped3A_331 = arith.constant 1 : i32
      "tpu.region"() ({
        %run_scoped3A_590 = tpu.sem_alloc : memref<!tpu.dma_semaphore, #tpu.memory_space<semaphore_mem>>
        %dma_start3A_591 = arith.constant 0 : i32
        %dma_start3A_592 = tpu.memref_slice %arg9[%run_scoped3A_331, %dma_start3A_591] : memref<2x128xi32, #tpu.memory_space<vmem>> -> memref<1x128xi32, #tpu.memory_space<vmem>>
        %dma_start3A_593 = tpu.memref_squeeze %dma_start3A_592 : memref<1x128xi32, #tpu.memory_space<vmem>> -> memref<128xi32, #tpu.memory_space<vmem>>
        %dma_start3A_594 = arith.constant 0 : i32
        %dma_start3A_595 = arith.constant 0 : i32
        %dma_start3A_596 = tpu.memref_slice %arg17[%dma_start3A_594, %dma_start3A_595] : memref<10112x16xf32, #tpu.memory_space<vmem_shared>> -> memref<10112x16xf32, #tpu.memory_space<vmem_shared>>
        tpu.enqueue_indirect_dma source(%arg15 : memref<128x16xf32, #tpu.memory_space<vmem>>) target(%dma_start3A_596 : memref<10112x16xf32, #tpu.memory_space<vmem_shared>>) offsets(%dma_start3A_593 : memref<128xi32, #tpu.memory_space<vmem>>) semaphore(%run_scoped3A_590 : memref<!tpu.dma_semaphore, #tpu.memory_space<semaphore_mem>>) {add = true}
        %dma_wait3A_597 = arith.constant 0 : i32
        %dma_wait3A_598 = tpu.memref_slice %arg9[%run_scoped3A_331, %dma_wait3A_597] : memref<2x128xi32, #tpu.memory_space<vmem>> -> memref<1x128xi32, #tpu.memory_space<vmem>>
        %dma_wait3A_599 = tpu.memref_squeeze %dma_wait3A_598 : memref<1x128xi32, #tpu.memory_space<vmem>> -> memref<128xi32, #tpu.memory_space<vmem>>
        %dma_wait3A_600 = arith.constant 0 : i32
        %dma_wait3A_601 = arith.constant 0 : i32
        %dma_wait3A_602 = tpu.memref_slice %arg17[%dma_wait3A_600, %dma_wait3A_601] : memref<10112x16xf32, #tpu.memory_space<vmem_shared>> -> memref<10112x16xf32, #tpu.memory_space<vmem_shared>>
        tpu.wait_indirect_dma semaphore(%run_scoped3A_590 : memref<!tpu.dma_semaphore, #tpu.memory_space<semaphore_mem>>) src(%arg15 : memref<128x16xf32, #tpu.memory_space<vmem>>) dst(%dma_wait3A_602 : memref<10112x16xf32, #tpu.memory_space<vmem_shared>>)
        tpu.yield
      }) : () -> ()
      %add3A_332 = arith.constant 4 : i32
      %add3A_333 = arith.addi %add3A_285, %add3A_332 : i32
      %dma_start3A_334 = arith.constant 0 : i32
      %dma_start3A_335 = arith.constant 0 : i32
      %dma_start3A_336 = arith.constant 0 : i32
      %dma_start3A_337 = tpu.memref_slice %arg9[%dma_start3A_335, %dma_start3A_336] : memref<2x128xi32, #tpu.memory_space<vmem>> -> memref<1x128xi32, #tpu.memory_space<vmem>>
      %dma_start3A_338 = tpu.memref_squeeze %dma_start3A_337 : memref<1x128xi32, #tpu.memory_space<vmem>> -> memref<128xi32, #tpu.memory_space<vmem>>
      %dma_start3A_339 = arith.constant 0 : i32
      %dma_start3A_340 = tpu.memref_slice %arg3[%dma_start3A_334, %add3A_333, %dma_start3A_339] : memref<2x2500x128xi32, #tpu.memory_space<hbm>> -> memref<1x1x128xi32, #tpu.memory_space<hbm>>
      %dma_start3A_341 = tpu.memref_squeeze %dma_start3A_340 : memref<1x1x128xi32, #tpu.memory_space<hbm>> -> memref<128xi32, #tpu.memory_space<hbm>>
      %dma_start3A_342 = arith.constant 0 : i32
      %dma_start3A_343 = tpu.memref_slice %arg9[%dma_start3A_335, %dma_start3A_342] : memref<2x128xi32, #tpu.memory_space<vmem>> -> memref<1x128xi32, #tpu.memory_space<vmem>>
      %dma_start3A_344 = tpu.memref_squeeze %dma_start3A_343 : memref<1x128xi32, #tpu.memory_space<vmem>> -> memref<128xi32, #tpu.memory_space<vmem>>
      %dma_start3A_345 = arith.constant 0 : i32
      %dma_start3A_346 = tpu.memref_slice %arg3[%dma_start3A_334, %add3A_333, %dma_start3A_345] : memref<2x2500x128xi32, #tpu.memory_space<hbm>> -> memref<1x1x128xi32, #tpu.memory_space<hbm>>
      %dma_start3A_347 = tpu.memref_squeeze %dma_start3A_346 : memref<1x1x128xi32, #tpu.memory_space<hbm>> -> memref<128xi32, #tpu.memory_space<hbm>>
      tpu.enqueue_dma source(%dma_start3A_347 : memref<128xi32, #tpu.memory_space<hbm>>) target(%dma_start3A_344 : memref<128xi32, #tpu.memory_space<vmem>>) target_semaphore(%arg20 : memref<!tpu.dma_semaphore, #tpu.memory_space<semaphore_mem>>)
      %dma_start3A_348 = arith.constant 1 : i32
      %dma_start3A_349 = arith.constant 1 : i32
      %dma_start3A_350 = arith.constant 0 : i32
      %dma_start3A_351 = tpu.memref_slice %arg9[%dma_start3A_349, %dma_start3A_350] : memref<2x128xi32, #tpu.memory_space<vmem>> -> memref<1x128xi32, #tpu.memory_space<vmem>>
      %dma_start3A_352 = tpu.memref_squeeze %dma_start3A_351 : memref<1x128xi32, #tpu.memory_space<vmem>> -> memref<128xi32, #tpu.memory_space<vmem>>
      %dma_start3A_353 = arith.constant 0 : i32
      %dma_start3A_354 = tpu.memref_slice %arg3[%dma_start3A_348, %add3A_333, %dma_start3A_353] : memref<2x2500x128xi32, #tpu.memory_space<hbm>> -> memref<1x1x128xi32, #tpu.memory_space<hbm>>
      %dma_start3A_355 = tpu.memref_squeeze %dma_start3A_354 : memref<1x1x128xi32, #tpu.memory_space<hbm>> -> memref<128xi32, #tpu.memory_space<hbm>>
      %dma_start3A_356 = arith.constant 0 : i32
      %dma_start3A_357 = tpu.memref_slice %arg9[%dma_start3A_349, %dma_start3A_356] : memref<2x128xi32, #tpu.memory_space<vmem>> -> memref<1x128xi32, #tpu.memory_space<vmem>>
      %dma_start3A_358 = tpu.memref_squeeze %dma_start3A_357 : memref<1x128xi32, #tpu.memory_space<vmem>> -> memref<128xi32, #tpu.memory_space<vmem>>
      %dma_start3A_359 = arith.constant 0 : i32
      %dma_start3A_360 = tpu.memref_slice %arg3[%dma_start3A_348, %add3A_333, %dma_start3A_359] : memref<2x2500x128xi32, #tpu.memory_space<hbm>> -> memref<1x1x128xi32, #tpu.memory_space<hbm>>
      %dma_start3A_361 = tpu.memref_squeeze %dma_start3A_360 : memref<1x1x128xi32, #tpu.memory_space<hbm>> -> memref<128xi32, #tpu.memory_space<hbm>>
      tpu.enqueue_dma source(%dma_start3A_361 : memref<128xi32, #tpu.memory_space<hbm>>) target(%dma_start3A_358 : memref<128xi32, #tpu.memory_space<vmem>>) target_semaphore(%arg20 : memref<!tpu.dma_semaphore, #tpu.memory_space<semaphore_mem>>)
      %dma_wait3A_362 = arith.constant 0 : i32
      %dma_wait3A_363 = arith.constant 0 : i32
      %dma_wait3A_364 = arith.constant 0 : i32
      %dma_wait3A_365 = arith.constant 0 : i32
      %dma_wait3A_366 = tpu.memref_slice %arg11[%dma_wait3A_364, %dma_wait3A_365] : memref<2x128xi32, #tpu.memory_space<vmem>> -> memref<1x128xi32, #tpu.memory_space<vmem>>
      %dma_wait3A_367 = tpu.memref_squeeze %dma_wait3A_366 : memref<1x128xi32, #tpu.memory_space<vmem>> -> memref<128xi32, #tpu.memory_space<vmem>>
      %dma_wait3A_368 = arith.constant 0 : i32
      %dma_wait3A_369 = tpu.memref_slice %arg3[%dma_wait3A_362, %dma_wait3A_363, %dma_wait3A_368] : memref<2x2500x128xi32, #tpu.memory_space<hbm>> -> memref<1x1x128xi32, #tpu.memory_space<hbm>>
      %dma_wait3A_370 = tpu.memref_squeeze %dma_wait3A_369 : memref<1x1x128xi32, #tpu.memory_space<hbm>> -> memref<128xi32, #tpu.memory_space<hbm>>
      %dma_wait3A_371 = arith.constant 0 : i32
      %dma_wait3A_372 = tpu.memref_slice %arg11[%dma_wait3A_364, %dma_wait3A_371] : memref<2x128xi32, #tpu.memory_space<vmem>> -> memref<1x128xi32, #tpu.memory_space<vmem>>
      %dma_wait3A_373 = tpu.memref_squeeze %dma_wait3A_372 : memref<1x128xi32, #tpu.memory_space<vmem>> -> memref<128xi32, #tpu.memory_space<vmem>>
      %dma_wait3A_374 = arith.constant 0 : i32
      %dma_wait3A_375 = tpu.memref_slice %arg3[%dma_wait3A_362, %dma_wait3A_363, %dma_wait3A_374] : memref<2x2500x128xi32, #tpu.memory_space<hbm>> -> memref<1x1x128xi32, #tpu.memory_space<hbm>>
      %dma_wait3A_376 = tpu.memref_squeeze %dma_wait3A_375 : memref<1x1x128xi32, #tpu.memory_space<hbm>> -> memref<128xi32, #tpu.memory_space<hbm>>
      tpu.wait_dma2 semaphore(%arg22 : memref<!tpu.dma_semaphore, #tpu.memory_space<semaphore_mem>>) src(%dma_wait3A_376 : memref<128xi32, #tpu.memory_space<hbm>>) dst(%dma_wait3A_373 : memref<128xi32, #tpu.memory_space<vmem>>)
      %dma_wait3A_377 = arith.constant 1 : i32
      %dma_wait3A_378 = arith.constant 0 : i32
      %dma_wait3A_379 = arith.constant 1 : i32
      %dma_wait3A_380 = arith.constant 0 : i32
      %dma_wait3A_381 = tpu.memref_slice %arg11[%dma_wait3A_379, %dma_wait3A_380] : memref<2x128xi32, #tpu.memory_space<vmem>> -> memref<1x128xi32, #tpu.memory_space<vmem>>
      %dma_wait3A_382 = tpu.memref_squeeze %dma_wait3A_381 : memref<1x128xi32, #tpu.memory_space<vmem>> -> memref<128xi32, #tpu.memory_space<vmem>>
      %dma_wait3A_383 = arith.constant 0 : i32
      %dma_wait3A_384 = tpu.memref_slice %arg3[%dma_wait3A_377, %dma_wait3A_378, %dma_wait3A_383] : memref<2x2500x128xi32, #tpu.memory_space<hbm>> -> memref<1x1x128xi32, #tpu.memory_space<hbm>>
      %dma_wait3A_385 = tpu.memref_squeeze %dma_wait3A_384 : memref<1x1x128xi32, #tpu.memory_space<hbm>> -> memref<128xi32, #tpu.memory_space<hbm>>
      %dma_wait3A_386 = arith.constant 0 : i32
      %dma_wait3A_387 = tpu.memref_slice %arg11[%dma_wait3A_379, %dma_wait3A_386] : memref<2x128xi32, #tpu.memory_space<vmem>> -> memref<1x128xi32, #tpu.memory_space<vmem>>
      %dma_wait3A_388 = tpu.memref_squeeze %dma_wait3A_387 : memref<1x128xi32, #tpu.memory_space<vmem>> -> memref<128xi32, #tpu.memory_space<vmem>>
      %dma_wait3A_389 = arith.constant 0 : i32
      %dma_wait3A_390 = tpu.memref_slice %arg3[%dma_wait3A_377, %dma_wait3A_378, %dma_wait3A_389] : memref<2x2500x128xi32, #tpu.memory_space<hbm>> -> memref<1x1x128xi32, #tpu.memory_space<hbm>>
      %dma_wait3A_391 = tpu.memref_squeeze %dma_wait3A_390 : memref<1x1x128xi32, #tpu.memory_space<hbm>> -> memref<128xi32, #tpu.memory_space<hbm>>
      tpu.wait_dma2 semaphore(%arg22 : memref<!tpu.dma_semaphore, #tpu.memory_space<semaphore_mem>>) src(%dma_wait3A_391 : memref<128xi32, #tpu.memory_space<hbm>>) dst(%dma_wait3A_388 : memref<128xi32, #tpu.memory_space<vmem>>)
      %dma_start3A_392 = arith.constant 0 : i32
      %dma_start3A_393 = arith.constant 0 : i32
      %dma_start3A_394 = tpu.memref_slice %arg11[%dma_start3A_392, %dma_start3A_393] : memref<2x128xi32, #tpu.memory_space<vmem>> -> memref<1x128xi32, #tpu.memory_space<vmem>>
      %dma_start3A_395 = tpu.memref_squeeze %dma_start3A_394 : memref<1x128xi32, #tpu.memory_space<vmem>> -> memref<128xi32, #tpu.memory_space<vmem>>
      %dma_start3A_396 = arith.constant 0 : i32
      %dma_start3A_397 = arith.constant 0 : i32
      %dma_start3A_398 = tpu.memref_slice %arg2[%dma_start3A_396, %dma_start3A_397] : memref<10000x128xf32, #tpu.memory_space<hbm>> -> memref<10000x128xf32, #tpu.memory_space<hbm>>
      tpu.enqueue_indirect_dma source(%dma_start3A_398 : memref<10000x128xf32, #tpu.memory_space<hbm>>) target(%arg13 : memref<128x128xf32, #tpu.memory_space<vmem>>) offsets(%dma_start3A_395 : memref<128xi32, #tpu.memory_space<vmem>>) semaphore(%arg18 : memref<!tpu.dma_semaphore, #tpu.memory_space<semaphore_mem>>)
      %dma_wait3A_399 = arith.constant 0 : i32
      %dma_wait3A_400 = arith.constant 0 : i32
      %dma_wait3A_401 = tpu.memref_slice %arg10[%dma_wait3A_399, %dma_wait3A_400] : memref<2x128xi32, #tpu.memory_space<vmem>> -> memref<1x128xi32, #tpu.memory_space<vmem>>
      %dma_wait3A_402 = tpu.memref_squeeze %dma_wait3A_401 : memref<1x128xi32, #tpu.memory_space<vmem>> -> memref<128xi32, #tpu.memory_space<vmem>>
      %dma_wait3A_403 = arith.constant 0 : i32
      %dma_wait3A_404 = arith.constant 0 : i32
      %dma_wait3A_405 = tpu.memref_slice %arg2[%dma_wait3A_403, %dma_wait3A_404] : memref<10000x128xf32, #tpu.memory_space<hbm>> -> memref<10000x128xf32, #tpu.memory_space<hbm>>
      tpu.wait_indirect_dma semaphore(%arg19 : memref<!tpu.dma_semaphore, #tpu.memory_space<semaphore_mem>>) src(%dma_wait3A_405 : memref<10000x128xf32, #tpu.memory_space<hbm>>) dst(%arg14 : memref<128x128xf32, #tpu.memory_space<vmem>>)
      %run_scoped3A_406 = arith.constant 1 : i32
      "tpu.region"() ({
        %run_scoped3A_590 = tpu.sem_alloc : memref<!tpu.dma_semaphore, #tpu.memory_space<semaphore_mem>>
        %dma_start3A_591 = arith.constant 0 : i32
        %dma_start3A_592 = tpu.memref_slice %arg10[%run_scoped3A_406, %dma_start3A_591] : memref<2x128xi32, #tpu.memory_space<vmem>> -> memref<1x128xi32, #tpu.memory_space<vmem>>
        %dma_start3A_593 = tpu.memref_squeeze %dma_start3A_592 : memref<1x128xi32, #tpu.memory_space<vmem>> -> memref<128xi32, #tpu.memory_space<vmem>>
        %dma_start3A_594 = arith.constant 0 : i32
        %dma_start3A_595 = arith.constant 0 : i32
        %dma_start3A_596 = tpu.memref_slice %arg16[%dma_start3A_594, %dma_start3A_595] : memref<10112x128xf32, #tpu.memory_space<vmem_shared>> -> memref<10112x128xf32, #tpu.memory_space<vmem_shared>>
        tpu.enqueue_indirect_dma source(%arg14 : memref<128x128xf32, #tpu.memory_space<vmem>>) target(%dma_start3A_596 : memref<10112x128xf32, #tpu.memory_space<vmem_shared>>) offsets(%dma_start3A_593 : memref<128xi32, #tpu.memory_space<vmem>>) semaphore(%run_scoped3A_590 : memref<!tpu.dma_semaphore, #tpu.memory_space<semaphore_mem>>) {add = true}
        %dma_wait3A_597 = arith.constant 0 : i32
        %dma_wait3A_598 = tpu.memref_slice %arg10[%run_scoped3A_406, %dma_wait3A_597] : memref<2x128xi32, #tpu.memory_space<vmem>> -> memref<1x128xi32, #tpu.memory_space<vmem>>
        %dma_wait3A_599 = tpu.memref_squeeze %dma_wait3A_598 : memref<1x128xi32, #tpu.memory_space<vmem>> -> memref<128xi32, #tpu.memory_space<vmem>>
        %dma_wait3A_600 = arith.constant 0 : i32
        %dma_wait3A_601 = arith.constant 0 : i32
        %dma_wait3A_602 = tpu.memref_slice %arg16[%dma_wait3A_600, %dma_wait3A_601] : memref<10112x128xf32, #tpu.memory_space<vmem_shared>> -> memref<10112x128xf32, #tpu.memory_space<vmem_shared>>
        tpu.wait_indirect_dma semaphore(%run_scoped3A_590 : memref<!tpu.dma_semaphore, #tpu.memory_space<semaphore_mem>>) src(%arg14 : memref<128x128xf32, #tpu.memory_space<vmem>>) dst(%dma_wait3A_602 : memref<10112x128xf32, #tpu.memory_space<vmem_shared>>)
        tpu.yield
      }) : () -> ()
      %run_scoped3A_407 = arith.constant 1 : i32
      "tpu.region"() ({
        %run_scoped3A_590 = tpu.sem_alloc : memref<!tpu.dma_semaphore, #tpu.memory_space<semaphore_mem>>
        %dma_start3A_591 = arith.constant 0 : i32
        %dma_start3A_592 = tpu.memref_slice %arg10[%run_scoped3A_407, %dma_start3A_591] : memref<2x128xi32, #tpu.memory_space<vmem>> -> memref<1x128xi32, #tpu.memory_space<vmem>>
        %dma_start3A_593 = tpu.memref_squeeze %dma_start3A_592 : memref<1x128xi32, #tpu.memory_space<vmem>> -> memref<128xi32, #tpu.memory_space<vmem>>
        %dma_start3A_594 = arith.constant 0 : i32
        %dma_start3A_595 = arith.constant 0 : i32
        %dma_start3A_596 = tpu.memref_slice %arg17[%dma_start3A_594, %dma_start3A_595] : memref<10112x16xf32, #tpu.memory_space<vmem_shared>> -> memref<10112x16xf32, #tpu.memory_space<vmem_shared>>
        tpu.enqueue_indirect_dma source(%arg15 : memref<128x16xf32, #tpu.memory_space<vmem>>) target(%dma_start3A_596 : memref<10112x16xf32, #tpu.memory_space<vmem_shared>>) offsets(%dma_start3A_593 : memref<128xi32, #tpu.memory_space<vmem>>) semaphore(%run_scoped3A_590 : memref<!tpu.dma_semaphore, #tpu.memory_space<semaphore_mem>>) {add = true}
        %dma_wait3A_597 = arith.constant 0 : i32
        %dma_wait3A_598 = tpu.memref_slice %arg10[%run_scoped3A_407, %dma_wait3A_597] : memref<2x128xi32, #tpu.memory_space<vmem>> -> memref<1x128xi32, #tpu.memory_space<vmem>>
        %dma_wait3A_599 = tpu.memref_squeeze %dma_wait3A_598 : memref<1x128xi32, #tpu.memory_space<vmem>> -> memref<128xi32, #tpu.memory_space<vmem>>
        %dma_wait3A_600 = arith.constant 0 : i32
        %dma_wait3A_601 = arith.constant 0 : i32
        %dma_wait3A_602 = tpu.memref_slice %arg17[%dma_wait3A_600, %dma_wait3A_601] : memref<10112x16xf32, #tpu.memory_space<vmem_shared>> -> memref<10112x16xf32, #tpu.memory_space<vmem_shared>>
        tpu.wait_indirect_dma semaphore(%run_scoped3A_590 : memref<!tpu.dma_semaphore, #tpu.memory_space<semaphore_mem>>) src(%arg15 : memref<128x16xf32, #tpu.memory_space<vmem>>) dst(%dma_wait3A_602 : memref<10112x16xf32, #tpu.memory_space<vmem_shared>>)
        tpu.yield
      }) : () -> ()
      %add3A_408 = arith.constant 5 : i32
      %add3A_409 = arith.addi %add3A_285, %add3A_408 : i32
      %dma_start3A_410 = arith.constant 0 : i32
      %dma_start3A_411 = arith.constant 0 : i32
      %dma_start3A_412 = arith.constant 0 : i32
      %dma_start3A_413 = tpu.memref_slice %arg10[%dma_start3A_411, %dma_start3A_412] : memref<2x128xi32, #tpu.memory_space<vmem>> -> memref<1x128xi32, #tpu.memory_space<vmem>>
      %dma_start3A_414 = tpu.memref_squeeze %dma_start3A_413 : memref<1x128xi32, #tpu.memory_space<vmem>> -> memref<128xi32, #tpu.memory_space<vmem>>
      %dma_start3A_415 = arith.constant 0 : i32
      %dma_start3A_416 = tpu.memref_slice %arg3[%dma_start3A_410, %add3A_409, %dma_start3A_415] : memref<2x2500x128xi32, #tpu.memory_space<hbm>> -> memref<1x1x128xi32, #tpu.memory_space<hbm>>
      %dma_start3A_417 = tpu.memref_squeeze %dma_start3A_416 : memref<1x1x128xi32, #tpu.memory_space<hbm>> -> memref<128xi32, #tpu.memory_space<hbm>>
      %dma_start3A_418 = arith.constant 0 : i32
      %dma_start3A_419 = tpu.memref_slice %arg10[%dma_start3A_411, %dma_start3A_418] : memref<2x128xi32, #tpu.memory_space<vmem>> -> memref<1x128xi32, #tpu.memory_space<vmem>>
      %dma_start3A_420 = tpu.memref_squeeze %dma_start3A_419 : memref<1x128xi32, #tpu.memory_space<vmem>> -> memref<128xi32, #tpu.memory_space<vmem>>
      %dma_start3A_421 = arith.constant 0 : i32
      %dma_start3A_422 = tpu.memref_slice %arg3[%dma_start3A_410, %add3A_409, %dma_start3A_421] : memref<2x2500x128xi32, #tpu.memory_space<hbm>> -> memref<1x1x128xi32, #tpu.memory_space<hbm>>
      %dma_start3A_423 = tpu.memref_squeeze %dma_start3A_422 : memref<1x1x128xi32, #tpu.memory_space<hbm>> -> memref<128xi32, #tpu.memory_space<hbm>>
      tpu.enqueue_dma source(%dma_start3A_423 : memref<128xi32, #tpu.memory_space<hbm>>) target(%dma_start3A_420 : memref<128xi32, #tpu.memory_space<vmem>>) target_semaphore(%arg21 : memref<!tpu.dma_semaphore, #tpu.memory_space<semaphore_mem>>)
      %dma_start3A_424 = arith.constant 1 : i32
      %dma_start3A_425 = arith.constant 1 : i32
      %dma_start3A_426 = arith.constant 0 : i32
      %dma_start3A_427 = tpu.memref_slice %arg10[%dma_start3A_425, %dma_start3A_426] : memref<2x128xi32, #tpu.memory_space<vmem>> -> memref<1x128xi32, #tpu.memory_space<vmem>>
      %dma_start3A_428 = tpu.memref_squeeze %dma_start3A_427 : memref<1x128xi32, #tpu.memory_space<vmem>> -> memref<128xi32, #tpu.memory_space<vmem>>
      %dma_start3A_429 = arith.constant 0 : i32
      %dma_start3A_430 = tpu.memref_slice %arg3[%dma_start3A_424, %add3A_409, %dma_start3A_429] : memref<2x2500x128xi32, #tpu.memory_space<hbm>> -> memref<1x1x128xi32, #tpu.memory_space<hbm>>
      %dma_start3A_431 = tpu.memref_squeeze %dma_start3A_430 : memref<1x1x128xi32, #tpu.memory_space<hbm>> -> memref<128xi32, #tpu.memory_space<hbm>>
      %dma_start3A_432 = arith.constant 0 : i32
      %dma_start3A_433 = tpu.memref_slice %arg10[%dma_start3A_425, %dma_start3A_432] : memref<2x128xi32, #tpu.memory_space<vmem>> -> memref<1x128xi32, #tpu.memory_space<vmem>>
      %dma_start3A_434 = tpu.memref_squeeze %dma_start3A_433 : memref<1x128xi32, #tpu.memory_space<vmem>> -> memref<128xi32, #tpu.memory_space<vmem>>
      %dma_start3A_435 = arith.constant 0 : i32
      %dma_start3A_436 = tpu.memref_slice %arg3[%dma_start3A_424, %add3A_409, %dma_start3A_435] : memref<2x2500x128xi32, #tpu.memory_space<hbm>> -> memref<1x1x128xi32, #tpu.memory_space<hbm>>
      %dma_start3A_437 = tpu.memref_squeeze %dma_start3A_436 : memref<1x1x128xi32, #tpu.memory_space<hbm>> -> memref<128xi32, #tpu.memory_space<hbm>>
      tpu.enqueue_dma source(%dma_start3A_437 : memref<128xi32, #tpu.memory_space<hbm>>) target(%dma_start3A_434 : memref<128xi32, #tpu.memory_space<vmem>>) target_semaphore(%arg21 : memref<!tpu.dma_semaphore, #tpu.memory_space<semaphore_mem>>)
      %dma_wait3A_438 = arith.constant 0 : i32
      %dma_wait3A_439 = arith.constant 0 : i32
      %dma_wait3A_440 = arith.constant 0 : i32
      %dma_wait3A_441 = arith.constant 0 : i32
      %dma_wait3A_442 = tpu.memref_slice %arg12[%dma_wait3A_440, %dma_wait3A_441] : memref<2x128xi32, #tpu.memory_space<vmem>> -> memref<1x128xi32, #tpu.memory_space<vmem>>
      %dma_wait3A_443 = tpu.memref_squeeze %dma_wait3A_442 : memref<1x128xi32, #tpu.memory_space<vmem>> -> memref<128xi32, #tpu.memory_space<vmem>>
      %dma_wait3A_444 = arith.constant 0 : i32
      %dma_wait3A_445 = tpu.memref_slice %arg3[%dma_wait3A_438, %dma_wait3A_439, %dma_wait3A_444] : memref<2x2500x128xi32, #tpu.memory_space<hbm>> -> memref<1x1x128xi32, #tpu.memory_space<hbm>>
      %dma_wait3A_446 = tpu.memref_squeeze %dma_wait3A_445 : memref<1x1x128xi32, #tpu.memory_space<hbm>> -> memref<128xi32, #tpu.memory_space<hbm>>
      %dma_wait3A_447 = arith.constant 0 : i32
      %dma_wait3A_448 = tpu.memref_slice %arg12[%dma_wait3A_440, %dma_wait3A_447] : memref<2x128xi32, #tpu.memory_space<vmem>> -> memref<1x128xi32, #tpu.memory_space<vmem>>
      %dma_wait3A_449 = tpu.memref_squeeze %dma_wait3A_448 : memref<1x128xi32, #tpu.memory_space<vmem>> -> memref<128xi32, #tpu.memory_space<vmem>>
      %dma_wait3A_450 = arith.constant 0 : i32
      %dma_wait3A_451 = tpu.memref_slice %arg3[%dma_wait3A_438, %dma_wait3A_439, %dma_wait3A_450] : memref<2x2500x128xi32, #tpu.memory_space<hbm>> -> memref<1x1x128xi32, #tpu.memory_space<hbm>>
      %dma_wait3A_452 = tpu.memref_squeeze %dma_wait3A_451 : memref<1x1x128xi32, #tpu.memory_space<hbm>> -> memref<128xi32, #tpu.memory_space<hbm>>
      tpu.wait_dma2 semaphore(%arg23 : memref<!tpu.dma_semaphore, #tpu.memory_space<semaphore_mem>>) src(%dma_wait3A_452 : memref<128xi32, #tpu.memory_space<hbm>>) dst(%dma_wait3A_449 : memref<128xi32, #tpu.memory_space<vmem>>)
      %dma_wait3A_453 = arith.constant 1 : i32
      %dma_wait3A_454 = arith.constant 0 : i32
      %dma_wait3A_455 = arith.constant 1 : i32
      %dma_wait3A_456 = arith.constant 0 : i32
      %dma_wait3A_457 = tpu.memref_slice %arg12[%dma_wait3A_455, %dma_wait3A_456] : memref<2x128xi32, #tpu.memory_space<vmem>> -> memref<1x128xi32, #tpu.memory_space<vmem>>
      %dma_wait3A_458 = tpu.memref_squeeze %dma_wait3A_457 : memref<1x128xi32, #tpu.memory_space<vmem>> -> memref<128xi32, #tpu.memory_space<vmem>>
      %dma_wait3A_459 = arith.constant 0 : i32
      %dma_wait3A_460 = tpu.memref_slice %arg3[%dma_wait3A_453, %dma_wait3A_454, %dma_wait3A_459] : memref<2x2500x128xi32, #tpu.memory_space<hbm>> -> memref<1x1x128xi32, #tpu.memory_space<hbm>>
      %dma_wait3A_461 = tpu.memref_squeeze %dma_wait3A_460 : memref<1x1x128xi32, #tpu.memory_space<hbm>> -> memref<128xi32, #tpu.memory_space<hbm>>
      %dma_wait3A_462 = arith.constant 0 : i32
      %dma_wait3A_463 = tpu.memref_slice %arg12[%dma_wait3A_455, %dma_wait3A_462] : memref<2x128xi32, #tpu.memory_space<vmem>> -> memref<1x128xi32, #tpu.memory_space<vmem>>
      %dma_wait3A_464 = tpu.memref_squeeze %dma_wait3A_463 : memref<1x128xi32, #tpu.memory_space<vmem>> -> memref<128xi32, #tpu.memory_space<vmem>>
      %dma_wait3A_465 = arith.constant 0 : i32
      %dma_wait3A_466 = tpu.memref_slice %arg3[%dma_wait3A_453, %dma_wait3A_454, %dma_wait3A_465] : memref<2x2500x128xi32, #tpu.memory_space<hbm>> -> memref<1x1x128xi32, #tpu.memory_space<hbm>>
      %dma_wait3A_467 = tpu.memref_squeeze %dma_wait3A_466 : memref<1x1x128xi32, #tpu.memory_space<hbm>> -> memref<128xi32, #tpu.memory_space<hbm>>
      tpu.wait_dma2 semaphore(%arg23 : memref<!tpu.dma_semaphore, #tpu.memory_space<semaphore_mem>>) src(%dma_wait3A_467 : memref<128xi32, #tpu.memory_space<hbm>>) dst(%dma_wait3A_464 : memref<128xi32, #tpu.memory_space<vmem>>)
      %dma_start3A_468 = arith.constant 0 : i32
      %dma_start3A_469 = arith.constant 0 : i32
      %dma_start3A_470 = tpu.memref_slice %arg12[%dma_start3A_468, %dma_start3A_469] : memref<2x128xi32, #tpu.memory_space<vmem>> -> memref<1x128xi32, #tpu.memory_space<vmem>>
      %dma_start3A_471 = tpu.memref_squeeze %dma_start3A_470 : memref<1x128xi32, #tpu.memory_space<vmem>> -> memref<128xi32, #tpu.memory_space<vmem>>
      %dma_start3A_472 = arith.constant 0 : i32
      %dma_start3A_473 = arith.constant 0 : i32
      %dma_start3A_474 = tpu.memref_slice %arg2[%dma_start3A_472, %dma_start3A_473] : memref<10000x128xf32, #tpu.memory_space<hbm>> -> memref<10000x128xf32, #tpu.memory_space<hbm>>
      tpu.enqueue_indirect_dma source(%dma_start3A_474 : memref<10000x128xf32, #tpu.memory_space<hbm>>) target(%arg14 : memref<128x128xf32, #tpu.memory_space<vmem>>) offsets(%dma_start3A_471 : memref<128xi32, #tpu.memory_space<vmem>>) semaphore(%arg19 : memref<!tpu.dma_semaphore, #tpu.memory_space<semaphore_mem>>)
      %dma_wait3A_475 = arith.constant 0 : i32
      %dma_wait3A_476 = arith.constant 0 : i32
      %dma_wait3A_477 = tpu.memref_slice %arg11[%dma_wait3A_475, %dma_wait3A_476] : memref<2x128xi32, #tpu.memory_space<vmem>> -> memref<1x128xi32, #tpu.memory_space<vmem>>
      %dma_wait3A_478 = tpu.memref_squeeze %dma_wait3A_477 : memref<1x128xi32, #tpu.memory_space<vmem>> -> memref<128xi32, #tpu.memory_space<vmem>>
      %dma_wait3A_479 = arith.constant 0 : i32
      %dma_wait3A_480 = arith.constant 0 : i32
      %dma_wait3A_481 = tpu.memref_slice %arg2[%dma_wait3A_479, %dma_wait3A_480] : memref<10000x128xf32, #tpu.memory_space<hbm>> -> memref<10000x128xf32, #tpu.memory_space<hbm>>
      tpu.wait_indirect_dma semaphore(%arg18 : memref<!tpu.dma_semaphore, #tpu.memory_space<semaphore_mem>>) src(%dma_wait3A_481 : memref<10000x128xf32, #tpu.memory_space<hbm>>) dst(%arg13 : memref<128x128xf32, #tpu.memory_space<vmem>>)
      %run_scoped3A_482 = arith.constant 1 : i32
      "tpu.region"() ({
        %run_scoped3A_590 = tpu.sem_alloc : memref<!tpu.dma_semaphore, #tpu.memory_space<semaphore_mem>>
        %dma_start3A_591 = arith.constant 0 : i32
        %dma_start3A_592 = tpu.memref_slice %arg11[%run_scoped3A_482, %dma_start3A_591] : memref<2x128xi32, #tpu.memory_space<vmem>> -> memref<1x128xi32, #tpu.memory_space<vmem>>
        %dma_start3A_593 = tpu.memref_squeeze %dma_start3A_592 : memref<1x128xi32, #tpu.memory_space<vmem>> -> memref<128xi32, #tpu.memory_space<vmem>>
        %dma_start3A_594 = arith.constant 0 : i32
        %dma_start3A_595 = arith.constant 0 : i32
        %dma_start3A_596 = tpu.memref_slice %arg16[%dma_start3A_594, %dma_start3A_595] : memref<10112x128xf32, #tpu.memory_space<vmem_shared>> -> memref<10112x128xf32, #tpu.memory_space<vmem_shared>>
        tpu.enqueue_indirect_dma source(%arg13 : memref<128x128xf32, #tpu.memory_space<vmem>>) target(%dma_start3A_596 : memref<10112x128xf32, #tpu.memory_space<vmem_shared>>) offsets(%dma_start3A_593 : memref<128xi32, #tpu.memory_space<vmem>>) semaphore(%run_scoped3A_590 : memref<!tpu.dma_semaphore, #tpu.memory_space<semaphore_mem>>) {add = true}
        %dma_wait3A_597 = arith.constant 0 : i32
        %dma_wait3A_598 = tpu.memref_slice %arg11[%run_scoped3A_482, %dma_wait3A_597] : memref<2x128xi32, #tpu.memory_space<vmem>> -> memref<1x128xi32, #tpu.memory_space<vmem>>
        %dma_wait3A_599 = tpu.memref_squeeze %dma_wait3A_598 : memref<1x128xi32, #tpu.memory_space<vmem>> -> memref<128xi32, #tpu.memory_space<vmem>>
        %dma_wait3A_600 = arith.constant 0 : i32
        %dma_wait3A_601 = arith.constant 0 : i32
        %dma_wait3A_602 = tpu.memref_slice %arg16[%dma_wait3A_600, %dma_wait3A_601] : memref<10112x128xf32, #tpu.memory_space<vmem_shared>> -> memref<10112x128xf32, #tpu.memory_space<vmem_shared>>
        tpu.wait_indirect_dma semaphore(%run_scoped3A_590 : memref<!tpu.dma_semaphore, #tpu.memory_space<semaphore_mem>>) src(%arg13 : memref<128x128xf32, #tpu.memory_space<vmem>>) dst(%dma_wait3A_602 : memref<10112x128xf32, #tpu.memory_space<vmem_shared>>)
        tpu.yield
      }) : () -> ()
      %run_scoped3A_483 = arith.constant 1 : i32
      "tpu.region"() ({
        %run_scoped3A_590 = tpu.sem_alloc : memref<!tpu.dma_semaphore, #tpu.memory_space<semaphore_mem>>
        %dma_start3A_591 = arith.constant 0 : i32
        %dma_start3A_592 = tpu.memref_slice %arg11[%run_scoped3A_483, %dma_start3A_591] : memref<2x128xi32, #tpu.memory_space<vmem>> -> memref<1x128xi32, #tpu.memory_space<vmem>>
        %dma_start3A_593 = tpu.memref_squeeze %dma_start3A_592 : memref<1x128xi32, #tpu.memory_space<vmem>> -> memref<128xi32, #tpu.memory_space<vmem>>
        %dma_start3A_594 = arith.constant 0 : i32
        %dma_start3A_595 = arith.constant 0 : i32
        %dma_start3A_596 = tpu.memref_slice %arg17[%dma_start3A_594, %dma_start3A_595] : memref<10112x16xf32, #tpu.memory_space<vmem_shared>> -> memref<10112x16xf32, #tpu.memory_space<vmem_shared>>
        tpu.enqueue_indirect_dma source(%arg15 : memref<128x16xf32, #tpu.memory_space<vmem>>) target(%dma_start3A_596 : memref<10112x16xf32, #tpu.memory_space<vmem_shared>>) offsets(%dma_start3A_593 : memref<128xi32, #tpu.memory_space<vmem>>) semaphore(%run_scoped3A_590 : memref<!tpu.dma_semaphore, #tpu.memory_space<semaphore_mem>>) {add = true}
        %dma_wait3A_597 = arith.constant 0 : i32
        %dma_wait3A_598 = tpu.memref_slice %arg11[%run_scoped3A_483, %dma_wait3A_597] : memref<2x128xi32, #tpu.memory_space<vmem>> -> memref<1x128xi32, #tpu.memory_space<vmem>>
        %dma_wait3A_599 = tpu.memref_squeeze %dma_wait3A_598 : memref<1x128xi32, #tpu.memory_space<vmem>> -> memref<128xi32, #tpu.memory_space<vmem>>
        %dma_wait3A_600 = arith.constant 0 : i32
        %dma_wait3A_601 = arith.constant 0 : i32
        %dma_wait3A_602 = tpu.memref_slice %arg17[%dma_wait3A_600, %dma_wait3A_601] : memref<10112x16xf32, #tpu.memory_space<vmem_shared>> -> memref<10112x16xf32, #tpu.memory_space<vmem_shared>>
        tpu.wait_indirect_dma semaphore(%run_scoped3A_590 : memref<!tpu.dma_semaphore, #tpu.memory_space<semaphore_mem>>) src(%arg15 : memref<128x16xf32, #tpu.memory_space<vmem>>) dst(%dma_wait3A_602 : memref<10112x16xf32, #tpu.memory_space<vmem_shared>>)
        tpu.yield
      }) : () -> ()
      %add3A_484 = arith.constant 6 : i32
      %add3A_485 = arith.addi %add3A_285, %add3A_484 : i32
      %dma_start3A_486 = arith.constant 0 : i32
      %dma_start3A_487 = arith.constant 0 : i32
      %dma_start3A_488 = arith.constant 0 : i32
      %dma_start3A_489 = tpu.memref_slice %arg11[%dma_start3A_487, %dma_start3A_488] : memref<2x128xi32, #tpu.memory_space<vmem>> -> memref<1x128xi32, #tpu.memory_space<vmem>>
      %dma_start3A_490 = tpu.memref_squeeze %dma_start3A_489 : memref<1x128xi32, #tpu.memory_space<vmem>> -> memref<128xi32, #tpu.memory_space<vmem>>
      %dma_start3A_491 = arith.constant 0 : i32
      %dma_start3A_492 = tpu.memref_slice %arg3[%dma_start3A_486, %add3A_485, %dma_start3A_491] : memref<2x2500x128xi32, #tpu.memory_space<hbm>> -> memref<1x1x128xi32, #tpu.memory_space<hbm>>
      %dma_start3A_493 = tpu.memref_squeeze %dma_start3A_492 : memref<1x1x128xi32, #tpu.memory_space<hbm>> -> memref<128xi32, #tpu.memory_space<hbm>>
      %dma_start3A_494 = arith.constant 0 : i32
      %dma_start3A_495 = tpu.memref_slice %arg11[%dma_start3A_487, %dma_start3A_494] : memref<2x128xi32, #tpu.memory_space<vmem>> -> memref<1x128xi32, #tpu.memory_space<vmem>>
      %dma_start3A_496 = tpu.memref_squeeze %dma_start3A_495 : memref<1x128xi32, #tpu.memory_space<vmem>> -> memref<128xi32, #tpu.memory_space<vmem>>
      %dma_start3A_497 = arith.constant 0 : i32
      %dma_start3A_498 = tpu.memref_slice %arg3[%dma_start3A_486, %add3A_485, %dma_start3A_497] : memref<2x2500x128xi32, #tpu.memory_space<hbm>> -> memref<1x1x128xi32, #tpu.memory_space<hbm>>
      %dma_start3A_499 = tpu.memref_squeeze %dma_start3A_498 : memref<1x1x128xi32, #tpu.memory_space<hbm>> -> memref<128xi32, #tpu.memory_space<hbm>>
      tpu.enqueue_dma source(%dma_start3A_499 : memref<128xi32, #tpu.memory_space<hbm>>) target(%dma_start3A_496 : memref<128xi32, #tpu.memory_space<vmem>>) target_semaphore(%arg22 : memref<!tpu.dma_semaphore, #tpu.memory_space<semaphore_mem>>)
      %dma_start3A_500 = arith.constant 1 : i32
      %dma_start3A_501 = arith.constant 1 : i32
      %dma_start3A_502 = arith.constant 0 : i32
      %dma_start3A_503 = tpu.memref_slice %arg11[%dma_start3A_501, %dma_start3A_502] : memref<2x128xi32, #tpu.memory_space<vmem>> -> memref<1x128xi32, #tpu.memory_space<vmem>>
      %dma_start3A_504 = tpu.memref_squeeze %dma_start3A_503 : memref<1x128xi32, #tpu.memory_space<vmem>> -> memref<128xi32, #tpu.memory_space<vmem>>
      %dma_start3A_505 = arith.constant 0 : i32
      %dma_start3A_506 = tpu.memref_slice %arg3[%dma_start3A_500, %add3A_485, %dma_start3A_505] : memref<2x2500x128xi32, #tpu.memory_space<hbm>> -> memref<1x1x128xi32, #tpu.memory_space<hbm>>
      %dma_start3A_507 = tpu.memref_squeeze %dma_start3A_506 : memref<1x1x128xi32, #tpu.memory_space<hbm>> -> memref<128xi32, #tpu.memory_space<hbm>>
      %dma_start3A_508 = arith.constant 0 : i32
      %dma_start3A_509 = tpu.memref_slice %arg11[%dma_start3A_501, %dma_start3A_508] : memref<2x128xi32, #tpu.memory_space<vmem>> -> memref<1x128xi32, #tpu.memory_space<vmem>>
      %dma_start3A_510 = tpu.memref_squeeze %dma_start3A_509 : memref<1x128xi32, #tpu.memory_space<vmem>> -> memref<128xi32, #tpu.memory_space<vmem>>
      %dma_start3A_511 = arith.constant 0 : i32
      %dma_start3A_512 = tpu.memref_slice %arg3[%dma_start3A_500, %add3A_485, %dma_start3A_511] : memref<2x2500x128xi32, #tpu.memory_space<hbm>> -> memref<1x1x128xi32, #tpu.memory_space<hbm>>
      %dma_start3A_513 = tpu.memref_squeeze %dma_start3A_512 : memref<1x1x128xi32, #tpu.memory_space<hbm>> -> memref<128xi32, #tpu.memory_space<hbm>>
      tpu.enqueue_dma source(%dma_start3A_513 : memref<128xi32, #tpu.memory_space<hbm>>) target(%dma_start3A_510 : memref<128xi32, #tpu.memory_space<vmem>>) target_semaphore(%arg22 : memref<!tpu.dma_semaphore, #tpu.memory_space<semaphore_mem>>)
      %dma_wait3A_514 = arith.constant 0 : i32
      %dma_wait3A_515 = arith.constant 0 : i32
      %dma_wait3A_516 = arith.constant 0 : i32
      %dma_wait3A_517 = arith.constant 0 : i32
      %dma_wait3A_518 = tpu.memref_slice %arg9[%dma_wait3A_516, %dma_wait3A_517] : memref<2x128xi32, #tpu.memory_space<vmem>> -> memref<1x128xi32, #tpu.memory_space<vmem>>
      %dma_wait3A_519 = tpu.memref_squeeze %dma_wait3A_518 : memref<1x128xi32, #tpu.memory_space<vmem>> -> memref<128xi32, #tpu.memory_space<vmem>>
      %dma_wait3A_520 = arith.constant 0 : i32
      %dma_wait3A_521 = tpu.memref_slice %arg3[%dma_wait3A_514, %dma_wait3A_515, %dma_wait3A_520] : memref<2x2500x128xi32, #tpu.memory_space<hbm>> -> memref<1x1x128xi32, #tpu.memory_space<hbm>>
      %dma_wait3A_522 = tpu.memref_squeeze %dma_wait3A_521 : memref<1x1x128xi32, #tpu.memory_space<hbm>> -> memref<128xi32, #tpu.memory_space<hbm>>
      %dma_wait3A_523 = arith.constant 0 : i32
      %dma_wait3A_524 = tpu.memref_slice %arg9[%dma_wait3A_516, %dma_wait3A_523] : memref<2x128xi32, #tpu.memory_space<vmem>> -> memref<1x128xi32, #tpu.memory_space<vmem>>
      %dma_wait3A_525 = tpu.memref_squeeze %dma_wait3A_524 : memref<1x128xi32, #tpu.memory_space<vmem>> -> memref<128xi32, #tpu.memory_space<vmem>>
      %dma_wait3A_526 = arith.constant 0 : i32
      %dma_wait3A_527 = tpu.memref_slice %arg3[%dma_wait3A_514, %dma_wait3A_515, %dma_wait3A_526] : memref<2x2500x128xi32, #tpu.memory_space<hbm>> -> memref<1x1x128xi32, #tpu.memory_space<hbm>>
      %dma_wait3A_528 = tpu.memref_squeeze %dma_wait3A_527 : memref<1x1x128xi32, #tpu.memory_space<hbm>> -> memref<128xi32, #tpu.memory_space<hbm>>
      tpu.wait_dma2 semaphore(%arg20 : memref<!tpu.dma_semaphore, #tpu.memory_space<semaphore_mem>>) src(%dma_wait3A_528 : memref<128xi32, #tpu.memory_space<hbm>>) dst(%dma_wait3A_525 : memref<128xi32, #tpu.memory_space<vmem>>)
      %dma_wait3A_529 = arith.constant 1 : i32
      %dma_wait3A_530 = arith.constant 0 : i32
      %dma_wait3A_531 = arith.constant 1 : i32
      %dma_wait3A_532 = arith.constant 0 : i32
      %dma_wait3A_533 = tpu.memref_slice %arg9[%dma_wait3A_531, %dma_wait3A_532] : memref<2x128xi32, #tpu.memory_space<vmem>> -> memref<1x128xi32, #tpu.memory_space<vmem>>
      %dma_wait3A_534 = tpu.memref_squeeze %dma_wait3A_533 : memref<1x128xi32, #tpu.memory_space<vmem>> -> memref<128xi32, #tpu.memory_space<vmem>>
      %dma_wait3A_535 = arith.constant 0 : i32
      %dma_wait3A_536 = tpu.memref_slice %arg3[%dma_wait3A_529, %dma_wait3A_530, %dma_wait3A_535] : memref<2x2500x128xi32, #tpu.memory_space<hbm>> -> memref<1x1x128xi32, #tpu.memory_space<hbm>>
      %dma_wait3A_537 = tpu.memref_squeeze %dma_wait3A_536 : memref<1x1x128xi32, #tpu.memory_space<hbm>> -> memref<128xi32, #tpu.memory_space<hbm>>
      %dma_wait3A_538 = arith.constant 0 : i32
      %dma_wait3A_539 = tpu.memref_slice %arg9[%dma_wait3A_531, %dma_wait3A_538] : memref<2x128xi32, #tpu.memory_space<vmem>> -> memref<1x128xi32, #tpu.memory_space<vmem>>
      %dma_wait3A_540 = tpu.memref_squeeze %dma_wait3A_539 : memref<1x128xi32, #tpu.memory_space<vmem>> -> memref<128xi32, #tpu.memory_space<vmem>>
      %dma_wait3A_541 = arith.constant 0 : i32
      %dma_wait3A_542 = tpu.memref_slice %arg3[%dma_wait3A_529, %dma_wait3A_530, %dma_wait3A_541] : memref<2x2500x128xi32, #tpu.memory_space<hbm>> -> memref<1x1x128xi32, #tpu.memory_space<hbm>>
      %dma_wait3A_543 = tpu.memref_squeeze %dma_wait3A_542 : memref<1x1x128xi32, #tpu.memory_space<hbm>> -> memref<128xi32, #tpu.memory_space<hbm>>
      tpu.wait_dma2 semaphore(%arg20 : memref<!tpu.dma_semaphore, #tpu.memory_space<semaphore_mem>>) src(%dma_wait3A_543 : memref<128xi32, #tpu.memory_space<hbm>>) dst(%dma_wait3A_540 : memref<128xi32, #tpu.memory_space<vmem>>)
      %dma_start3A_544 = arith.constant 0 : i32
      %dma_start3A_545 = arith.constant 0 : i32
      %dma_start3A_546 = tpu.memref_slice %arg9[%dma_start3A_544, %dma_start3A_545] : memref<2x128xi32, #tpu.memory_space<vmem>> -> memref<1x128xi32, #tpu.memory_space<vmem>>
      %dma_start3A_547 = tpu.memref_squeeze %dma_start3A_546 : memref<1x128xi32, #tpu.memory_space<vmem>> -> memref<128xi32, #tpu.memory_space<vmem>>
      %dma_start3A_548 = arith.constant 0 : i32
      %dma_start3A_549 = arith.constant 0 : i32
      %dma_start3A_550 = tpu.memref_slice %arg2[%dma_start3A_548, %dma_start3A_549] : memref<10000x128xf32, #tpu.memory_space<hbm>> -> memref<10000x128xf32, #tpu.memory_space<hbm>>
      tpu.enqueue_indirect_dma source(%dma_start3A_550 : memref<10000x128xf32, #tpu.memory_space<hbm>>) target(%arg13 : memref<128x128xf32, #tpu.memory_space<vmem>>) offsets(%dma_start3A_547 : memref<128xi32, #tpu.memory_space<vmem>>) semaphore(%arg18 : memref<!tpu.dma_semaphore, #tpu.memory_space<semaphore_mem>>)
      %dma_wait3A_551 = arith.constant 0 : i32
      %dma_wait3A_552 = arith.constant 0 : i32
      %dma_wait3A_553 = tpu.memref_slice %arg12[%dma_wait3A_551, %dma_wait3A_552] : memref<2x128xi32, #tpu.memory_space<vmem>> -> memref<1x128xi32, #tpu.memory_space<vmem>>
      %dma_wait3A_554 = tpu.memref_squeeze %dma_wait3A_553 : memref<1x128xi32, #tpu.memory_space<vmem>> -> memref<128xi32, #tpu.memory_space<vmem>>
      %dma_wait3A_555 = arith.constant 0 : i32
      %dma_wait3A_556 = arith.constant 0 : i32
      %dma_wait3A_557 = tpu.memref_slice %arg2[%dma_wait3A_555, %dma_wait3A_556] : memref<10000x128xf32, #tpu.memory_space<hbm>> -> memref<10000x128xf32, #tpu.memory_space<hbm>>
      tpu.wait_indirect_dma semaphore(%arg19 : memref<!tpu.dma_semaphore, #tpu.memory_space<semaphore_mem>>) src(%dma_wait3A_557 : memref<10000x128xf32, #tpu.memory_space<hbm>>) dst(%arg14 : memref<128x128xf32, #tpu.memory_space<vmem>>)
      %run_scoped3A_558 = arith.constant 1 : i32
      "tpu.region"() ({
        %run_scoped3A_590 = tpu.sem_alloc : memref<!tpu.dma_semaphore, #tpu.memory_space<semaphore_mem>>
        %dma_start3A_591 = arith.constant 0 : i32
        %dma_start3A_592 = tpu.memref_slice %arg12[%run_scoped3A_558, %dma_start3A_591] : memref<2x128xi32, #tpu.memory_space<vmem>> -> memref<1x128xi32, #tpu.memory_space<vmem>>
        %dma_start3A_593 = tpu.memref_squeeze %dma_start3A_592 : memref<1x128xi32, #tpu.memory_space<vmem>> -> memref<128xi32, #tpu.memory_space<vmem>>
        %dma_start3A_594 = arith.constant 0 : i32
        %dma_start3A_595 = arith.constant 0 : i32
        %dma_start3A_596 = tpu.memref_slice %arg16[%dma_start3A_594, %dma_start3A_595] : memref<10112x128xf32, #tpu.memory_space<vmem_shared>> -> memref<10112x128xf32, #tpu.memory_space<vmem_shared>>
        tpu.enqueue_indirect_dma source(%arg14 : memref<128x128xf32, #tpu.memory_space<vmem>>) target(%dma_start3A_596 : memref<10112x128xf32, #tpu.memory_space<vmem_shared>>) offsets(%dma_start3A_593 : memref<128xi32, #tpu.memory_space<vmem>>) semaphore(%run_scoped3A_590 : memref<!tpu.dma_semaphore, #tpu.memory_space<semaphore_mem>>) {add = true}
        %dma_wait3A_597 = arith.constant 0 : i32
        %dma_wait3A_598 = tpu.memref_slice %arg12[%run_scoped3A_558, %dma_wait3A_597] : memref<2x128xi32, #tpu.memory_space<vmem>> -> memref<1x128xi32, #tpu.memory_space<vmem>>
        %dma_wait3A_599 = tpu.memref_squeeze %dma_wait3A_598 : memref<1x128xi32, #tpu.memory_space<vmem>> -> memref<128xi32, #tpu.memory_space<vmem>>
        %dma_wait3A_600 = arith.constant 0 : i32
        %dma_wait3A_601 = arith.constant 0 : i32
        %dma_wait3A_602 = tpu.memref_slice %arg16[%dma_wait3A_600, %dma_wait3A_601] : memref<10112x128xf32, #tpu.memory_space<vmem_shared>> -> memref<10112x128xf32, #tpu.memory_space<vmem_shared>>
        tpu.wait_indirect_dma semaphore(%run_scoped3A_590 : memref<!tpu.dma_semaphore, #tpu.memory_space<semaphore_mem>>) src(%arg14 : memref<128x128xf32, #tpu.memory_space<vmem>>) dst(%dma_wait3A_602 : memref<10112x128xf32, #tpu.memory_space<vmem_shared>>)
        tpu.yield
      }) : () -> ()
      %run_scoped3A_559 = arith.constant 1 : i32
      "tpu.region"() ({
        %run_scoped3A_590 = tpu.sem_alloc : memref<!tpu.dma_semaphore, #tpu.memory_space<semaphore_mem>>
        %dma_start3A_591 = arith.constant 0 : i32
        %dma_start3A_592 = tpu.memref_slice %arg12[%run_scoped3A_559, %dma_start3A_591] : memref<2x128xi32, #tpu.memory_space<vmem>> -> memref<1x128xi32, #tpu.memory_space<vmem>>
        %dma_start3A_593 = tpu.memref_squeeze %dma_start3A_592 : memref<1x128xi32, #tpu.memory_space<vmem>> -> memref<128xi32, #tpu.memory_space<vmem>>
        %dma_start3A_594 = arith.constant 0 : i32
        %dma_start3A_595 = arith.constant 0 : i32
        %dma_start3A_596 = tpu.memref_slice %arg17[%dma_start3A_594, %dma_start3A_595] : memref<10112x16xf32, #tpu.memory_space<vmem_shared>> -> memref<10112x16xf32, #tpu.memory_space<vmem_shared>>
        tpu.enqueue_indirect_dma source(%arg15 : memref<128x16xf32, #tpu.memory_space<vmem>>) target(%dma_start3A_596 : memref<10112x16xf32, #tpu.memory_space<vmem_shared>>) offsets(%dma_start3A_593 : memref<128xi32, #tpu.memory_space<vmem>>) semaphore(%run_scoped3A_590 : memref<!tpu.dma_semaphore, #tpu.memory_space<semaphore_mem>>) {add = true}
        %dma_wait3A_597 = arith.constant 0 : i32
        %dma_wait3A_598 = tpu.memref_slice %arg12[%run_scoped3A_559, %dma_wait3A_597] : memref<2x128xi32, #tpu.memory_space<vmem>> -> memref<1x128xi32, #tpu.memory_space<vmem>>
        %dma_wait3A_599 = tpu.memref_squeeze %dma_wait3A_598 : memref<1x128xi32, #tpu.memory_space<vmem>> -> memref<128xi32, #tpu.memory_space<vmem>>
        %dma_wait3A_600 = arith.constant 0 : i32
        %dma_wait3A_601 = arith.constant 0 : i32
        %dma_wait3A_602 = tpu.memref_slice %arg17[%dma_wait3A_600, %dma_wait3A_601] : memref<10112x16xf32, #tpu.memory_space<vmem_shared>> -> memref<10112x16xf32, #tpu.memory_space<vmem_shared>>
        tpu.wait_indirect_dma semaphore(%run_scoped3A_590 : memref<!tpu.dma_semaphore, #tpu.memory_space<semaphore_mem>>) src(%arg15 : memref<128x16xf32, #tpu.memory_space<vmem>>) dst(%dma_wait3A_602 : memref<10112x16xf32, #tpu.memory_space<vmem_shared>>)
        tpu.yield
      }) : () -> ()
      %add3A_560 = arith.constant 7 : i32
      %add3A_561 = arith.addi %add3A_285, %add3A_560 : i32
      %dma_start3A_562 = arith.constant 0 : i32
      %dma_start3A_563 = arith.constant 0 : i32
      %dma_start3A_564 = arith.constant 0 : i32
      %dma_start3A_565 = tpu.memref_slice %arg12[%dma_start3A_563, %dma_start3A_564] : memref<2x128xi32, #tpu.memory_space<vmem>> -> memref<1x128xi32, #tpu.memory_space<vmem>>
      %dma_start3A_566 = tpu.memref_squeeze %dma_start3A_565 : memref<1x128xi32, #tpu.memory_space<vmem>> -> memref<128xi32, #tpu.memory_space<vmem>>
      %dma_start3A_567 = arith.constant 0 : i32
      %dma_start3A_568 = tpu.memref_slice %arg3[%dma_start3A_562, %add3A_561, %dma_start3A_567] : memref<2x2500x128xi32, #tpu.memory_space<hbm>> -> memref<1x1x128xi32, #tpu.memory_space<hbm>>
      %dma_start3A_569 = tpu.memref_squeeze %dma_start3A_568 : memref<1x1x128xi32, #tpu.memory_space<hbm>> -> memref<128xi32, #tpu.memory_space<hbm>>
      %dma_start3A_570 = arith.constant 0 : i32
      %dma_start3A_571 = tpu.memref_slice %arg12[%dma_start3A_563, %dma_start3A_570] : memref<2x128xi32, #tpu.memory_space<vmem>> -> memref<1x128xi32, #tpu.memory_space<vmem>>
      %dma_start3A_572 = tpu.memref_squeeze %dma_start3A_571 : memref<1x128xi32, #tpu.memory_space<vmem>> -> memref<128xi32, #tpu.memory_space<vmem>>
      %dma_start3A_573 = arith.constant 0 : i32
      %dma_start3A_574 = tpu.memref_slice %arg3[%dma_start3A_562, %add3A_561, %dma_start3A_573] : memref<2x2500x128xi32, #tpu.memory_space<hbm>> -> memref<1x1x128xi32, #tpu.memory_space<hbm>>
      %dma_start3A_575 = tpu.memref_squeeze %dma_start3A_574 : memref<1x1x128xi32, #tpu.memory_space<hbm>> -> memref<128xi32, #tpu.memory_space<hbm>>
      tpu.enqueue_dma source(%dma_start3A_575 : memref<128xi32, #tpu.memory_space<hbm>>) target(%dma_start3A_572 : memref<128xi32, #tpu.memory_space<vmem>>) target_semaphore(%arg23 : memref<!tpu.dma_semaphore, #tpu.memory_space<semaphore_mem>>)
      %dma_start3A_576 = arith.constant 1 : i32
      %dma_start3A_577 = arith.constant 1 : i32
      %dma_start3A_578 = arith.constant 0 : i32
      %dma_start3A_579 = tpu.memref_slice %arg12[%dma_start3A_577, %dma_start3A_578] : memref<2x128xi32, #tpu.memory_space<vmem>> -> memref<1x128xi32, #tpu.memory_space<vmem>>
      %dma_start3A_580 = tpu.memref_squeeze %dma_start3A_579 : memref<1x128xi32, #tpu.memory_space<vmem>> -> memref<128xi32, #tpu.memory_space<vmem>>
      %dma_start3A_581 = arith.constant 0 : i32
      %dma_start3A_582 = tpu.memref_slice %arg3[%dma_start3A_576, %add3A_561, %dma_start3A_581] : memref<2x2500x128xi32, #tpu.memory_space<hbm>> -> memref<1x1x128xi32, #tpu.memory_space<hbm>>
      %dma_start3A_583 = tpu.memref_squeeze %dma_start3A_582 : memref<1x1x128xi32, #tpu.memory_space<hbm>> -> memref<128xi32, #tpu.memory_space<hbm>>
      %dma_start3A_584 = arith.constant 0 : i32
      %dma_start3A_585 = tpu.memref_slice %arg12[%dma_start3A_577, %dma_start3A_584] : memref<2x128xi32, #tpu.memory_space<vmem>> -> memref<1x128xi32, #tpu.memory_space<vmem>>
      %dma_start3A_586 = tpu.memref_squeeze %dma_start3A_585 : memref<1x128xi32, #tpu.memory_space<vmem>> -> memref<128xi32, #tpu.memory_space<vmem>>
      %dma_start3A_587 = arith.constant 0 : i32
      %dma_start3A_588 = tpu.memref_slice %arg3[%dma_start3A_576, %add3A_561, %dma_start3A_587] : memref<2x2500x128xi32, #tpu.memory_space<hbm>> -> memref<1x1x128xi32, #tpu.memory_space<hbm>>
      %dma_start3A_589 = tpu.memref_squeeze %dma_start3A_588 : memref<1x1x128xi32, #tpu.memory_space<hbm>> -> memref<128xi32, #tpu.memory_space<hbm>>
      tpu.enqueue_dma source(%dma_start3A_589 : memref<128xi32, #tpu.memory_space<hbm>>) target(%dma_start3A_586 : memref<128xi32, #tpu.memory_space<vmem>>) target_semaphore(%arg23 : memref<!tpu.dma_semaphore, #tpu.memory_space<semaphore_mem>>)
    }
    %scan3A_164 = arith.constant 19 : i32
    %dma_wait3A_165 = arith.constant 0 : i32
    %dma_wait3A_166 = arith.constant 0 : i32
    %dma_wait3A_167 = arith.constant 0 : i32
    %dma_wait3A_168 = arith.constant 0 : i32
    %dma_wait3A_169 = tpu.memref_slice %arg10[%dma_wait3A_167, %dma_wait3A_168] : memref<2x128xi32, #tpu.memory_space<vmem>> -> memref<1x128xi32, #tpu.memory_space<vmem>>
    %dma_wait3A_170 = tpu.memref_squeeze %dma_wait3A_169 : memref<1x128xi32, #tpu.memory_space<vmem>> -> memref<128xi32, #tpu.memory_space<vmem>>
    %dma_wait3A_171 = arith.constant 0 : i32
    %dma_wait3A_172 = tpu.memref_slice %arg3[%dma_wait3A_165, %dma_wait3A_166, %dma_wait3A_171] : memref<2x2500x128xi32, #tpu.memory_space<hbm>> -> memref<1x1x128xi32, #tpu.memory_space<hbm>>
    %dma_wait3A_173 = tpu.memref_squeeze %dma_wait3A_172 : memref<1x1x128xi32, #tpu.memory_space<hbm>> -> memref<128xi32, #tpu.memory_space<hbm>>
    %dma_wait3A_174 = arith.constant 0 : i32
    %dma_wait3A_175 = tpu.memref_slice %arg10[%dma_wait3A_167, %dma_wait3A_174] : memref<2x128xi32, #tpu.memory_space<vmem>> -> memref<1x128xi32, #tpu.memory_space<vmem>>
    %dma_wait3A_176 = tpu.memref_squeeze %dma_wait3A_175 : memref<1x128xi32, #tpu.memory_space<vmem>> -> memref<128xi32, #tpu.memory_space<vmem>>
    %dma_wait3A_177 = arith.constant 0 : i32
    %dma_wait3A_178 = tpu.memref_slice %arg3[%dma_wait3A_165, %dma_wait3A_166, %dma_wait3A_177] : memref<2x2500x128xi32, #tpu.memory_space<hbm>> -> memref<1x1x128xi32, #tpu.memory_space<hbm>>
    %dma_wait3A_179 = tpu.memref_squeeze %dma_wait3A_178 : memref<1x1x128xi32, #tpu.memory_space<hbm>> -> memref<128xi32, #tpu.memory_space<hbm>>
    tpu.wait_dma2 semaphore(%arg21 : memref<!tpu.dma_semaphore, #tpu.memory_space<semaphore_mem>>) src(%dma_wait3A_179 : memref<128xi32, #tpu.memory_space<hbm>>) dst(%dma_wait3A_176 : memref<128xi32, #tpu.memory_space<vmem>>)
    %dma_wait3A_180 = arith.constant 1 : i32
    %dma_wait3A_181 = arith.constant 0 : i32
    %dma_wait3A_182 = arith.constant 1 : i32
    %dma_wait3A_183 = arith.constant 0 : i32
    %dma_wait3A_184 = tpu.memref_slice %arg10[%dma_wait3A_182, %dma_wait3A_183] : memref<2x128xi32, #tpu.memory_space<vmem>> -> memref<1x128xi32, #tpu.memory_space<vmem>>
    %dma_wait3A_185 = tpu.memref_squeeze %dma_wait3A_184 : memref<1x128xi32, #tpu.memory_space<vmem>> -> memref<128xi32, #tpu.memory_space<vmem>>
    %dma_wait3A_186 = arith.constant 0 : i32
    %dma_wait3A_187 = tpu.memref_slice %arg3[%dma_wait3A_180, %dma_wait3A_181, %dma_wait3A_186] : memref<2x2500x128xi32, #tpu.memory_space<hbm>> -> memref<1x1x128xi32, #tpu.memory_space<hbm>>
    %dma_wait3A_188 = tpu.memref_squeeze %dma_wait3A_187 : memref<1x1x128xi32, #tpu.memory_space<hbm>> -> memref<128xi32, #tpu.memory_space<hbm>>
    %dma_wait3A_189 = arith.constant 0 : i32
    %dma_wait3A_190 = tpu.memref_slice %arg10[%dma_wait3A_182, %dma_wait3A_189] : memref<2x128xi32, #tpu.memory_space<vmem>> -> memref<1x128xi32, #tpu.memory_space<vmem>>
    %dma_wait3A_191 = tpu.memref_squeeze %dma_wait3A_190 : memref<1x128xi32, #tpu.memory_space<vmem>> -> memref<128xi32, #tpu.memory_space<vmem>>
    %dma_wait3A_192 = arith.constant 0 : i32
    %dma_wait3A_193 = tpu.memref_slice %arg3[%dma_wait3A_180, %dma_wait3A_181, %dma_wait3A_192] : memref<2x2500x128xi32, #tpu.memory_space<hbm>> -> memref<1x1x128xi32, #tpu.memory_space<hbm>>
    %dma_wait3A_194 = tpu.memref_squeeze %dma_wait3A_193 : memref<1x1x128xi32, #tpu.memory_space<hbm>> -> memref<128xi32, #tpu.memory_space<hbm>>
    tpu.wait_dma2 semaphore(%arg21 : memref<!tpu.dma_semaphore, #tpu.memory_space<semaphore_mem>>) src(%dma_wait3A_194 : memref<128xi32, #tpu.memory_space<hbm>>) dst(%dma_wait3A_191 : memref<128xi32, #tpu.memory_space<vmem>>)
    %dma_start3A_195 = arith.constant 0 : i32
    %dma_start3A_196 = arith.constant 0 : i32
    %dma_start3A_197 = tpu.memref_slice %arg10[%dma_start3A_195, %dma_start3A_196] : memref<2x128xi32, #tpu.memory_space<vmem>> -> memref<1x128xi32, #tpu.memory_space<vmem>>
    %dma_start3A_198 = tpu.memref_squeeze %dma_start3A_197 : memref<1x128xi32, #tpu.memory_space<vmem>> -> memref<128xi32, #tpu.memory_space<vmem>>
    %dma_start3A_199 = arith.constant 0 : i32
    %dma_start3A_200 = arith.constant 0 : i32
    %dma_start3A_201 = tpu.memref_slice %arg2[%dma_start3A_199, %dma_start3A_200] : memref<10000x128xf32, #tpu.memory_space<hbm>> -> memref<10000x128xf32, #tpu.memory_space<hbm>>
    tpu.enqueue_indirect_dma source(%dma_start3A_201 : memref<10000x128xf32, #tpu.memory_space<hbm>>) target(%arg14 : memref<128x128xf32, #tpu.memory_space<vmem>>) offsets(%dma_start3A_198 : memref<128xi32, #tpu.memory_space<vmem>>) semaphore(%arg19 : memref<!tpu.dma_semaphore, #tpu.memory_space<semaphore_mem>>)
    %dma_wait3A_202 = arith.constant 0 : i32
    %dma_wait3A_203 = arith.constant 0 : i32
    %dma_wait3A_204 = tpu.memref_slice %arg9[%dma_wait3A_202, %dma_wait3A_203] : memref<2x128xi32, #tpu.memory_space<vmem>> -> memref<1x128xi32, #tpu.memory_space<vmem>>
    %dma_wait3A_205 = tpu.memref_squeeze %dma_wait3A_204 : memref<1x128xi32, #tpu.memory_space<vmem>> -> memref<128xi32, #tpu.memory_space<vmem>>
    %dma_wait3A_206 = arith.constant 0 : i32
    %dma_wait3A_207 = arith.constant 0 : i32
    %dma_wait3A_208 = tpu.memref_slice %arg2[%dma_wait3A_206, %dma_wait3A_207] : memref<10000x128xf32, #tpu.memory_space<hbm>> -> memref<10000x128xf32, #tpu.memory_space<hbm>>
    tpu.wait_indirect_dma semaphore(%arg18 : memref<!tpu.dma_semaphore, #tpu.memory_space<semaphore_mem>>) src(%dma_wait3A_208 : memref<10000x128xf32, #tpu.memory_space<hbm>>) dst(%arg13 : memref<128x128xf32, #tpu.memory_space<vmem>>)
    %run_scoped3A = arith.constant 1 : i32
    "tpu.region"() ({
      %run_scoped3A_282 = tpu.sem_alloc : memref<!tpu.dma_semaphore, #tpu.memory_space<semaphore_mem>>
      %dma_start3A_283 = arith.constant 0 : i32
      %dma_start3A_284 = tpu.memref_slice %arg9[%run_scoped3A, %dma_start3A_283] : memref<2x128xi32, #tpu.memory_space<vmem>> -> memref<1x128xi32, #tpu.memory_space<vmem>>
      %dma_start3A_285 = tpu.memref_squeeze %dma_start3A_284 : memref<1x128xi32, #tpu.memory_space<vmem>> -> memref<128xi32, #tpu.memory_space<vmem>>
      %dma_start3A_286 = arith.constant 0 : i32
      %dma_start3A_287 = arith.constant 0 : i32
      %dma_start3A_288 = tpu.memref_slice %arg16[%dma_start3A_286, %dma_start3A_287] : memref<10112x128xf32, #tpu.memory_space<vmem_shared>> -> memref<10112x128xf32, #tpu.memory_space<vmem_shared>>
      tpu.enqueue_indirect_dma source(%arg13 : memref<128x128xf32, #tpu.memory_space<vmem>>) target(%dma_start3A_288 : memref<10112x128xf32, #tpu.memory_space<vmem_shared>>) offsets(%dma_start3A_285 : memref<128xi32, #tpu.memory_space<vmem>>) semaphore(%run_scoped3A_282 : memref<!tpu.dma_semaphore, #tpu.memory_space<semaphore_mem>>) {add = true}
      %dma_wait3A_289 = arith.constant 0 : i32
      %dma_wait3A_290 = tpu.memref_slice %arg9[%run_scoped3A, %dma_wait3A_289] : memref<2x128xi32, #tpu.memory_space<vmem>> -> memref<1x128xi32, #tpu.memory_space<vmem>>
      %dma_wait3A_291 = tpu.memref_squeeze %dma_wait3A_290 : memref<1x128xi32, #tpu.memory_space<vmem>> -> memref<128xi32, #tpu.memory_space<vmem>>
      %dma_wait3A_292 = arith.constant 0 : i32
      %dma_wait3A_293 = arith.constant 0 : i32
      %dma_wait3A_294 = tpu.memref_slice %arg16[%dma_wait3A_292, %dma_wait3A_293] : memref<10112x128xf32, #tpu.memory_space<vmem_shared>> -> memref<10112x128xf32, #tpu.memory_space<vmem_shared>>
      tpu.wait_indirect_dma semaphore(%run_scoped3A_282 : memref<!tpu.dma_semaphore, #tpu.memory_space<semaphore_mem>>) src(%arg13 : memref<128x128xf32, #tpu.memory_space<vmem>>) dst(%dma_wait3A_294 : memref<10112x128xf32, #tpu.memory_space<vmem_shared>>)
      tpu.yield
    }) : () -> ()
    %run_scoped3A_209 = arith.constant 1 : i32
    "tpu.region"() ({
      %run_scoped3A_282 = tpu.sem_alloc : memref<!tpu.dma_semaphore, #tpu.memory_space<semaphore_mem>>
      %dma_start3A_283 = arith.constant 0 : i32
      %dma_start3A_284 = tpu.memref_slice %arg9[%run_scoped3A_209, %dma_start3A_283] : memref<2x128xi32, #tpu.memory_space<vmem>> -> memref<1x128xi32, #tpu.memory_space<vmem>>
      %dma_start3A_285 = tpu.memref_squeeze %dma_start3A_284 : memref<1x128xi32, #tpu.memory_space<vmem>> -> memref<128xi32, #tpu.memory_space<vmem>>
      %dma_start3A_286 = arith.constant 0 : i32
      %dma_start3A_287 = arith.constant 0 : i32
      %dma_start3A_288 = tpu.memref_slice %arg17[%dma_start3A_286, %dma_start3A_287] : memref<10112x16xf32, #tpu.memory_space<vmem_shared>> -> memref<10112x16xf32, #tpu.memory_space<vmem_shared>>
      tpu.enqueue_indirect_dma source(%arg15 : memref<128x16xf32, #tpu.memory_space<vmem>>) target(%dma_start3A_288 : memref<10112x16xf32, #tpu.memory_space<vmem_shared>>) offsets(%dma_start3A_285 : memref<128xi32, #tpu.memory_space<vmem>>) semaphore(%run_scoped3A_282 : memref<!tpu.dma_semaphore, #tpu.memory_space<semaphore_mem>>) {add = true}
      %dma_wait3A_289 = arith.constant 0 : i32
      %dma_wait3A_290 = tpu.memref_slice %arg9[%run_scoped3A_209, %dma_wait3A_289] : memref<2x128xi32, #tpu.memory_space<vmem>> -> memref<1x128xi32, #tpu.memory_space<vmem>>
      %dma_wait3A_291 = tpu.memref_squeeze %dma_wait3A_290 : memref<1x128xi32, #tpu.memory_space<vmem>> -> memref<128xi32, #tpu.memory_space<vmem>>
      %dma_wait3A_292 = arith.constant 0 : i32
      %dma_wait3A_293 = arith.constant 0 : i32
      %dma_wait3A_294 = tpu.memref_slice %arg17[%dma_wait3A_292, %dma_wait3A_293] : memref<10112x16xf32, #tpu.memory_space<vmem_shared>> -> memref<10112x16xf32, #tpu.memory_space<vmem_shared>>
      tpu.wait_indirect_dma semaphore(%run_scoped3A_282 : memref<!tpu.dma_semaphore, #tpu.memory_space<semaphore_mem>>) src(%arg15 : memref<128x16xf32, #tpu.memory_space<vmem>>) dst(%dma_wait3A_294 : memref<10112x16xf32, #tpu.memory_space<vmem_shared>>)
      tpu.yield
    }) : () -> ()
    %dma_wait3A_210 = arith.constant 0 : i32
    %dma_wait3A_211 = arith.constant 0 : i32
    %dma_wait3A_212 = tpu.memref_slice %arg10[%dma_wait3A_210, %dma_wait3A_211] : memref<2x128xi32, #tpu.memory_space<vmem>> -> memref<1x128xi32, #tpu.memory_space<vmem>>
    %dma_wait3A_213 = tpu.memref_squeeze %dma_wait3A_212 : memref<1x128xi32, #tpu.memory_space<vmem>> -> memref<128xi32, #tpu.memory_space<vmem>>
    %dma_wait3A_214 = arith.constant 0 : i32
    %dma_wait3A_215 = arith.constant 0 : i32
    %dma_wait3A_216 = tpu.memref_slice %arg2[%dma_wait3A_214, %dma_wait3A_215] : memref<10000x128xf32, #tpu.memory_space<hbm>> -> memref<10000x128xf32, #tpu.memory_space<hbm>>
    tpu.wait_indirect_dma semaphore(%arg19 : memref<!tpu.dma_semaphore, #tpu.memory_space<semaphore_mem>>) src(%dma_wait3A_216 : memref<10000x128xf32, #tpu.memory_space<hbm>>) dst(%arg14 : memref<128x128xf32, #tpu.memory_space<vmem>>)
    %run_scoped3A_217 = arith.constant 1 : i32
    "tpu.region"() ({
      %run_scoped3A_282 = tpu.sem_alloc : memref<!tpu.dma_semaphore, #tpu.memory_space<semaphore_mem>>
      %dma_start3A_283 = arith.constant 0 : i32
      %dma_start3A_284 = tpu.memref_slice %arg10[%run_scoped3A_217, %dma_start3A_283] : memref<2x128xi32, #tpu.memory_space<vmem>> -> memref<1x128xi32, #tpu.memory_space<vmem>>
      %dma_start3A_285 = tpu.memref_squeeze %dma_start3A_284 : memref<1x128xi32, #tpu.memory_space<vmem>> -> memref<128xi32, #tpu.memory_space<vmem>>
      %dma_start3A_286 = arith.constant 0 : i32
      %dma_start3A_287 = arith.constant 0 : i32
      %dma_start3A_288 = tpu.memref_slice %arg16[%dma_start3A_286, %dma_start3A_287] : memref<10112x128xf32, #tpu.memory_space<vmem_shared>> -> memref<10112x128xf32, #tpu.memory_space<vmem_shared>>
      tpu.enqueue_indirect_dma source(%arg14 : memref<128x128xf32, #tpu.memory_space<vmem>>) target(%dma_start3A_288 : memref<10112x128xf32, #tpu.memory_space<vmem_shared>>) offsets(%dma_start3A_285 : memref<128xi32, #tpu.memory_space<vmem>>) semaphore(%run_scoped3A_282 : memref<!tpu.dma_semaphore, #tpu.memory_space<semaphore_mem>>) {add = true}
      %dma_wait3A_289 = arith.constant 0 : i32
      %dma_wait3A_290 = tpu.memref_slice %arg10[%run_scoped3A_217, %dma_wait3A_289] : memref<2x128xi32, #tpu.memory_space<vmem>> -> memref<1x128xi32, #tpu.memory_space<vmem>>
      %dma_wait3A_291 = tpu.memref_squeeze %dma_wait3A_290 : memref<1x128xi32, #tpu.memory_space<vmem>> -> memref<128xi32, #tpu.memory_space<vmem>>
      %dma_wait3A_292 = arith.constant 0 : i32
      %dma_wait3A_293 = arith.constant 0 : i32
      %dma_wait3A_294 = tpu.memref_slice %arg16[%dma_wait3A_292, %dma_wait3A_293] : memref<10112x128xf32, #tpu.memory_space<vmem_shared>> -> memref<10112x128xf32, #tpu.memory_space<vmem_shared>>
      tpu.wait_indirect_dma semaphore(%run_scoped3A_282 : memref<!tpu.dma_semaphore, #tpu.memory_space<semaphore_mem>>) src(%arg14 : memref<128x128xf32, #tpu.memory_space<vmem>>) dst(%dma_wait3A_294 : memref<10112x128xf32, #tpu.memory_space<vmem_shared>>)
      tpu.yield
    }) : () -> ()
    %run_scoped3A_218 = arith.constant 1 : i32
    "tpu.region"() ({
      %run_scoped3A_282 = tpu.sem_alloc : memref<!tpu.dma_semaphore, #tpu.memory_space<semaphore_mem>>
      %dma_start3A_283 = arith.constant 0 : i32
      %dma_start3A_284 = tpu.memref_slice %arg10[%run_scoped3A_218, %dma_start3A_283] : memref<2x128xi32, #tpu.memory_space<vmem>> -> memref<1x128xi32, #tpu.memory_space<vmem>>
      %dma_start3A_285 = tpu.memref_squeeze %dma_start3A_284 : memref<1x128xi32, #tpu.memory_space<vmem>> -> memref<128xi32, #tpu.memory_space<vmem>>
      %dma_start3A_286 = arith.constant 0 : i32
      %dma_start3A_287 = arith.constant 0 : i32
      %dma_start3A_288 = tpu.memref_slice %arg17[%dma_start3A_286, %dma_start3A_287] : memref<10112x16xf32, #tpu.memory_space<vmem_shared>> -> memref<10112x16xf32, #tpu.memory_space<vmem_shared>>
      tpu.enqueue_indirect_dma source(%arg15 : memref<128x16xf32, #tpu.memory_space<vmem>>) target(%dma_start3A_288 : memref<10112x16xf32, #tpu.memory_space<vmem_shared>>) offsets(%dma_start3A_285 : memref<128xi32, #tpu.memory_space<vmem>>) semaphore(%run_scoped3A_282 : memref<!tpu.dma_semaphore, #tpu.memory_space<semaphore_mem>>) {add = true}
      %dma_wait3A_289 = arith.constant 0 : i32
      %dma_wait3A_290 = tpu.memref_slice %arg10[%run_scoped3A_218, %dma_wait3A_289] : memref<2x128xi32, #tpu.memory_space<vmem>> -> memref<1x128xi32, #tpu.memory_space<vmem>>
      %dma_wait3A_291 = tpu.memref_squeeze %dma_wait3A_290 : memref<1x128xi32, #tpu.memory_space<vmem>> -> memref<128xi32, #tpu.memory_space<vmem>>
      %dma_wait3A_292 = arith.constant 0 : i32
      %dma_wait3A_293 = arith.constant 0 : i32
      %dma_wait3A_294 = tpu.memref_slice %arg17[%dma_wait3A_292, %dma_wait3A_293] : memref<10112x16xf32, #tpu.memory_space<vmem_shared>> -> memref<10112x16xf32, #tpu.memory_space<vmem_shared>>
      tpu.wait_indirect_dma semaphore(%run_scoped3A_282 : memref<!tpu.dma_semaphore, #tpu.memory_space<semaphore_mem>>) src(%arg15 : memref<128x16xf32, #tpu.memory_space<vmem>>) dst(%dma_wait3A_294 : memref<10112x16xf32, #tpu.memory_space<vmem_shared>>)
      tpu.yield
    }) : () -> ()
    %dma_wait3A_219 = arith.constant 0 : i32
    %dma_wait3A_220 = arith.constant 0 : i32
    %dma_wait3A_221 = arith.constant 0 : i32
    %dma_wait3A_222 = arith.constant 0 : i32
    %dma_wait3A_223 = tpu.memref_slice %arg11[%dma_wait3A_221, %dma_wait3A_222] : memref<2x128xi32, #tpu.memory_space<vmem>> -> memref<1x128xi32, #tpu.memory_space<vmem>>
    %dma_wait3A_224 = tpu.memref_squeeze %dma_wait3A_223 : memref<1x128xi32, #tpu.memory_space<vmem>> -> memref<128xi32, #tpu.memory_space<vmem>>
    %dma_wait3A_225 = arith.constant 0 : i32
    %dma_wait3A_226 = tpu.memref_slice %arg3[%dma_wait3A_219, %dma_wait3A_220, %dma_wait3A_225] : memref<2x2500x128xi32, #tpu.memory_space<hbm>> -> memref<1x1x128xi32, #tpu.memory_space<hbm>>
    %dma_wait3A_227 = tpu.memref_squeeze %dma_wait3A_226 : memref<1x1x128xi32, #tpu.memory_space<hbm>> -> memref<128xi32, #tpu.memory_space<hbm>>
    %dma_wait3A_228 = arith.constant 0 : i32
    %dma_wait3A_229 = tpu.memref_slice %arg11[%dma_wait3A_221, %dma_wait3A_228] : memref<2x128xi32, #tpu.memory_space<vmem>> -> memref<1x128xi32, #tpu.memory_space<vmem>>
    %dma_wait3A_230 = tpu.memref_squeeze %dma_wait3A_229 : memref<1x128xi32, #tpu.memory_space<vmem>> -> memref<128xi32, #tpu.memory_space<vmem>>
    %dma_wait3A_231 = arith.constant 0 : i32
    %dma_wait3A_232 = tpu.memref_slice %arg3[%dma_wait3A_219, %dma_wait3A_220, %dma_wait3A_231] : memref<2x2500x128xi32, #tpu.memory_space<hbm>> -> memref<1x1x128xi32, #tpu.memory_space<hbm>>
    %dma_wait3A_233 = tpu.memref_squeeze %dma_wait3A_232 : memref<1x1x128xi32, #tpu.memory_space<hbm>> -> memref<128xi32, #tpu.memory_space<hbm>>
    tpu.wait_dma2 semaphore(%arg22 : memref<!tpu.dma_semaphore, #tpu.memory_space<semaphore_mem>>) src(%dma_wait3A_233 : memref<128xi32, #tpu.memory_space<hbm>>) dst(%dma_wait3A_230 : memref<128xi32, #tpu.memory_space<vmem>>)
    %dma_wait3A_234 = arith.constant 1 : i32
    %dma_wait3A_235 = arith.constant 0 : i32
    %dma_wait3A_236 = arith.constant 1 : i32
    %dma_wait3A_237 = arith.constant 0 : i32
    %dma_wait3A_238 = tpu.memref_slice %arg11[%dma_wait3A_236, %dma_wait3A_237] : memref<2x128xi32, #tpu.memory_space<vmem>> -> memref<1x128xi32, #tpu.memory_space<vmem>>
    %dma_wait3A_239 = tpu.memref_squeeze %dma_wait3A_238 : memref<1x128xi32, #tpu.memory_space<vmem>> -> memref<128xi32, #tpu.memory_space<vmem>>
    %dma_wait3A_240 = arith.constant 0 : i32
    %dma_wait3A_241 = tpu.memref_slice %arg3[%dma_wait3A_234, %dma_wait3A_235, %dma_wait3A_240] : memref<2x2500x128xi32, #tpu.memory_space<hbm>> -> memref<1x1x128xi32, #tpu.memory_space<hbm>>
    %dma_wait3A_242 = tpu.memref_squeeze %dma_wait3A_241 : memref<1x1x128xi32, #tpu.memory_space<hbm>> -> memref<128xi32, #tpu.memory_space<hbm>>
    %dma_wait3A_243 = arith.constant 0 : i32
    %dma_wait3A_244 = tpu.memref_slice %arg11[%dma_wait3A_236, %dma_wait3A_243] : memref<2x128xi32, #tpu.memory_space<vmem>> -> memref<1x128xi32, #tpu.memory_space<vmem>>
    %dma_wait3A_245 = tpu.memref_squeeze %dma_wait3A_244 : memref<1x128xi32, #tpu.memory_space<vmem>> -> memref<128xi32, #tpu.memory_space<vmem>>
    %dma_wait3A_246 = arith.constant 0 : i32
    %dma_wait3A_247 = tpu.memref_slice %arg3[%dma_wait3A_234, %dma_wait3A_235, %dma_wait3A_246] : memref<2x2500x128xi32, #tpu.memory_space<hbm>> -> memref<1x1x128xi32, #tpu.memory_space<hbm>>
    %dma_wait3A_248 = tpu.memref_squeeze %dma_wait3A_247 : memref<1x1x128xi32, #tpu.memory_space<hbm>> -> memref<128xi32, #tpu.memory_space<hbm>>
    tpu.wait_dma2 semaphore(%arg22 : memref<!tpu.dma_semaphore, #tpu.memory_space<semaphore_mem>>) src(%dma_wait3A_248 : memref<128xi32, #tpu.memory_space<hbm>>) dst(%dma_wait3A_245 : memref<128xi32, #tpu.memory_space<vmem>>)
    %dma_wait3A_249 = arith.constant 0 : i32
    %dma_wait3A_250 = arith.constant 0 : i32
    %dma_wait3A_251 = arith.constant 0 : i32
    %dma_wait3A_252 = arith.constant 0 : i32
    %dma_wait3A_253 = tpu.memref_slice %arg12[%dma_wait3A_251, %dma_wait3A_252] : memref<2x128xi32, #tpu.memory_space<vmem>> -> memref<1x128xi32, #tpu.memory_space<vmem>>
    %dma_wait3A_254 = tpu.memref_squeeze %dma_wait3A_253 : memref<1x128xi32, #tpu.memory_space<vmem>> -> memref<128xi32, #tpu.memory_space<vmem>>
    %dma_wait3A_255 = arith.constant 0 : i32
    %dma_wait3A_256 = tpu.memref_slice %arg3[%dma_wait3A_249, %dma_wait3A_250, %dma_wait3A_255] : memref<2x2500x128xi32, #tpu.memory_space<hbm>> -> memref<1x1x128xi32, #tpu.memory_space<hbm>>
    %dma_wait3A_257 = tpu.memref_squeeze %dma_wait3A_256 : memref<1x1x128xi32, #tpu.memory_space<hbm>> -> memref<128xi32, #tpu.memory_space<hbm>>
    %dma_wait3A_258 = arith.constant 0 : i32
    %dma_wait3A_259 = tpu.memref_slice %arg12[%dma_wait3A_251, %dma_wait3A_258] : memref<2x128xi32, #tpu.memory_space<vmem>> -> memref<1x128xi32, #tpu.memory_space<vmem>>
    %dma_wait3A_260 = tpu.memref_squeeze %dma_wait3A_259 : memref<1x128xi32, #tpu.memory_space<vmem>> -> memref<128xi32, #tpu.memory_space<vmem>>
    %dma_wait3A_261 = arith.constant 0 : i32
    %dma_wait3A_262 = tpu.memref_slice %arg3[%dma_wait3A_249, %dma_wait3A_250, %dma_wait3A_261] : memref<2x2500x128xi32, #tpu.memory_space<hbm>> -> memref<1x1x128xi32, #tpu.memory_space<hbm>>
    %dma_wait3A_263 = tpu.memref_squeeze %dma_wait3A_262 : memref<1x1x128xi32, #tpu.memory_space<hbm>> -> memref<128xi32, #tpu.memory_space<hbm>>
    tpu.wait_dma2 semaphore(%arg23 : memref<!tpu.dma_semaphore, #tpu.memory_space<semaphore_mem>>) src(%dma_wait3A_263 : memref<128xi32, #tpu.memory_space<hbm>>) dst(%dma_wait3A_260 : memref<128xi32, #tpu.memory_space<vmem>>)
    %dma_wait3A_264 = arith.constant 1 : i32
    %dma_wait3A_265 = arith.constant 0 : i32
    %dma_wait3A_266 = arith.constant 1 : i32
    %dma_wait3A_267 = arith.constant 0 : i32
    %dma_wait3A_268 = tpu.memref_slice %arg12[%dma_wait3A_266, %dma_wait3A_267] : memref<2x128xi32, #tpu.memory_space<vmem>> -> memref<1x128xi32, #tpu.memory_space<vmem>>
    %dma_wait3A_269 = tpu.memref_squeeze %dma_wait3A_268 : memref<1x128xi32, #tpu.memory_space<vmem>> -> memref<128xi32, #tpu.memory_space<vmem>>
    %dma_wait3A_270 = arith.constant 0 : i32
    %dma_wait3A_271 = tpu.memref_slice %arg3[%dma_wait3A_264, %dma_wait3A_265, %dma_wait3A_270] : memref<2x2500x128xi32, #tpu.memory_space<hbm>> -> memref<1x1x128xi32, #tpu.memory_space<hbm>>
    %dma_wait3A_272 = tpu.memref_squeeze %dma_wait3A_271 : memref<1x1x128xi32, #tpu.memory_space<hbm>> -> memref<128xi32, #tpu.memory_space<hbm>>
    %dma_wait3A_273 = arith.constant 0 : i32
    %dma_wait3A_274 = tpu.memref_slice %arg12[%dma_wait3A_266, %dma_wait3A_273] : memref<2x128xi32, #tpu.memory_space<vmem>> -> memref<1x128xi32, #tpu.memory_space<vmem>>
    %dma_wait3A_275 = tpu.memref_squeeze %dma_wait3A_274 : memref<1x128xi32, #tpu.memory_space<vmem>> -> memref<128xi32, #tpu.memory_space<vmem>>
    %dma_wait3A_276 = arith.constant 0 : i32
    %dma_wait3A_277 = tpu.memref_slice %arg3[%dma_wait3A_264, %dma_wait3A_265, %dma_wait3A_276] : memref<2x2500x128xi32, #tpu.memory_space<hbm>> -> memref<1x1x128xi32, #tpu.memory_space<hbm>>
    %dma_wait3A_278 = tpu.memref_squeeze %dma_wait3A_277 : memref<1x1x128xi32, #tpu.memory_space<hbm>> -> memref<128xi32, #tpu.memory_space<hbm>>
    tpu.wait_dma2 semaphore(%arg23 : memref<!tpu.dma_semaphore, #tpu.memory_space<semaphore_mem>>) src(%dma_wait3A_278 : memref<128xi32, #tpu.memory_space<hbm>>) dst(%dma_wait3A_275 : memref<128xi32, #tpu.memory_space<vmem>>)
    %lt3A = arith.constant 4 : i32
    %lt3A_279 = arith.cmpi slt, %add3A, %lt3A : i32
    %convert_element_type3A = arith.extui %lt3A_279 : i1 to i32
    %cond3A = arith.constant 0 : i32
    %cond3A_280 = arith.cmpi ne, %convert_element_type3A, %cond3A : i32
    scf.if %cond3A_280 {
      %add3A_282 = arith.constant 2496 : i32
      %add3A_283 = arith.addi %add3A_282, %add3A : i32
      %dma_start3A_284 = arith.constant 0 : i32
      %dma_start3A_285 = arith.constant 0 : i32
      %dma_start3A_286 = arith.constant 0 : i32
      %dma_start3A_287 = tpu.memref_slice %arg9[%dma_start3A_285, %dma_start3A_286] : memref<2x128xi32, #tpu.memory_space<vmem>> -> memref<1x128xi32, #tpu.memory_space<vmem>>
      %dma_start3A_288 = tpu.memref_squeeze %dma_start3A_287 : memref<1x128xi32, #tpu.memory_space<vmem>> -> memref<128xi32, #tpu.memory_space<vmem>>
      %dma_start3A_289 = arith.constant 0 : i32
      %dma_start3A_290 = tpu.memref_slice %arg3[%dma_start3A_284, %add3A_283, %dma_start3A_289] : memref<2x2500x128xi32, #tpu.memory_space<hbm>> -> memref<1x1x128xi32, #tpu.memory_space<hbm>>
      %dma_start3A_291 = tpu.memref_squeeze %dma_start3A_290 : memref<1x1x128xi32, #tpu.memory_space<hbm>> -> memref<128xi32, #tpu.memory_space<hbm>>
      %dma_start3A_292 = arith.constant 0 : i32
      %dma_start3A_293 = tpu.memref_slice %arg9[%dma_start3A_285, %dma_start3A_292] : memref<2x128xi32, #tpu.memory_space<vmem>> -> memref<1x128xi32, #tpu.memory_space<vmem>>
      %dma_start3A_294 = tpu.memref_squeeze %dma_start3A_293 : memref<1x128xi32, #tpu.memory_space<vmem>> -> memref<128xi32, #tpu.memory_space<vmem>>
      %dma_start3A_295 = arith.constant 0 : i32
      %dma_start3A_296 = tpu.memref_slice %arg3[%dma_start3A_284, %add3A_283, %dma_start3A_295] : memref<2x2500x128xi32, #tpu.memory_space<hbm>> -> memref<1x1x128xi32, #tpu.memory_space<hbm>>
      %dma_start3A_297 = tpu.memref_squeeze %dma_start3A_296 : memref<1x1x128xi32, #tpu.memory_space<hbm>> -> memref<128xi32, #tpu.memory_space<hbm>>
      tpu.enqueue_dma source(%dma_start3A_297 : memref<128xi32, #tpu.memory_space<hbm>>) target(%dma_start3A_294 : memref<128xi32, #tpu.memory_space<vmem>>) target_semaphore(%arg20 : memref<!tpu.dma_semaphore, #tpu.memory_space<semaphore_mem>>)
      %dma_start3A_298 = arith.constant 1 : i32
      %dma_start3A_299 = arith.constant 1 : i32
      %dma_start3A_300 = arith.constant 0 : i32
      %dma_start3A_301 = tpu.memref_slice %arg9[%dma_start3A_299, %dma_start3A_300] : memref<2x128xi32, #tpu.memory_space<vmem>> -> memref<1x128xi32, #tpu.memory_space<vmem>>
      %dma_start3A_302 = tpu.memref_squeeze %dma_start3A_301 : memref<1x128xi32, #tpu.memory_space<vmem>> -> memref<128xi32, #tpu.memory_space<vmem>>
      %dma_start3A_303 = arith.constant 0 : i32
      %dma_start3A_304 = tpu.memref_slice %arg3[%dma_start3A_298, %add3A_283, %dma_start3A_303] : memref<2x2500x128xi32, #tpu.memory_space<hbm>> -> memref<1x1x128xi32, #tpu.memory_space<hbm>>
      %dma_start3A_305 = tpu.memref_squeeze %dma_start3A_304 : memref<1x1x128xi32, #tpu.memory_space<hbm>> -> memref<128xi32, #tpu.memory_space<hbm>>
      %dma_start3A_306 = arith.constant 0 : i32
      %dma_start3A_307 = tpu.memref_slice %arg9[%dma_start3A_299, %dma_start3A_306] : memref<2x128xi32, #tpu.memory_space<vmem>> -> memref<1x128xi32, #tpu.memory_space<vmem>>
      %dma_start3A_308 = tpu.memref_squeeze %dma_start3A_307 : memref<1x128xi32, #tpu.memory_space<vmem>> -> memref<128xi32, #tpu.memory_space<vmem>>
      %dma_start3A_309 = arith.constant 0 : i32
      %dma_start3A_310 = tpu.memref_slice %arg3[%dma_start3A_298, %add3A_283, %dma_start3A_309] : memref<2x2500x128xi32, #tpu.memory_space<hbm>> -> memref<1x1x128xi32, #tpu.memory_space<hbm>>
      %dma_start3A_311 = tpu.memref_squeeze %dma_start3A_310 : memref<1x1x128xi32, #tpu.memory_space<hbm>> -> memref<128xi32, #tpu.memory_space<hbm>>
      tpu.enqueue_dma source(%dma_start3A_311 : memref<128xi32, #tpu.memory_space<hbm>>) target(%dma_start3A_308 : memref<128xi32, #tpu.memory_space<vmem>>) target_semaphore(%arg20 : memref<!tpu.dma_semaphore, #tpu.memory_space<semaphore_mem>>)
      %dma_wait3A_312 = arith.constant 0 : i32
      %dma_wait3A_313 = arith.constant 0 : i32
      %dma_wait3A_314 = arith.constant 0 : i32
      %dma_wait3A_315 = arith.constant 0 : i32
      %dma_wait3A_316 = tpu.memref_slice %arg9[%dma_wait3A_314, %dma_wait3A_315] : memref<2x128xi32, #tpu.memory_space<vmem>> -> memref<1x128xi32, #tpu.memory_space<vmem>>
      %dma_wait3A_317 = tpu.memref_squeeze %dma_wait3A_316 : memref<1x128xi32, #tpu.memory_space<vmem>> -> memref<128xi32, #tpu.memory_space<vmem>>
      %dma_wait3A_318 = arith.constant 0 : i32
      %dma_wait3A_319 = tpu.memref_slice %arg3[%dma_wait3A_312, %dma_wait3A_313, %dma_wait3A_318] : memref<2x2500x128xi32, #tpu.memory_space<hbm>> -> memref<1x1x128xi32, #tpu.memory_space<hbm>>
      %dma_wait3A_320 = tpu.memref_squeeze %dma_wait3A_319 : memref<1x1x128xi32, #tpu.memory_space<hbm>> -> memref<128xi32, #tpu.memory_space<hbm>>
      %dma_wait3A_321 = arith.constant 0 : i32
      %dma_wait3A_322 = tpu.memref_slice %arg9[%dma_wait3A_314, %dma_wait3A_321] : memref<2x128xi32, #tpu.memory_space<vmem>> -> memref<1x128xi32, #tpu.memory_space<vmem>>
      %dma_wait3A_323 = tpu.memref_squeeze %dma_wait3A_322 : memref<1x128xi32, #tpu.memory_space<vmem>> -> memref<128xi32, #tpu.memory_space<vmem>>
      %dma_wait3A_324 = arith.constant 0 : i32
      %dma_wait3A_325 = tpu.memref_slice %arg3[%dma_wait3A_312, %dma_wait3A_313, %dma_wait3A_324] : memref<2x2500x128xi32, #tpu.memory_space<hbm>> -> memref<1x1x128xi32, #tpu.memory_space<hbm>>
      %dma_wait3A_326 = tpu.memref_squeeze %dma_wait3A_325 : memref<1x1x128xi32, #tpu.memory_space<hbm>> -> memref<128xi32, #tpu.memory_space<hbm>>
      tpu.wait_dma2 semaphore(%arg20 : memref<!tpu.dma_semaphore, #tpu.memory_space<semaphore_mem>>) src(%dma_wait3A_326 : memref<128xi32, #tpu.memory_space<hbm>>) dst(%dma_wait3A_323 : memref<128xi32, #tpu.memory_space<vmem>>)
      %dma_wait3A_327 = arith.constant 1 : i32
      %dma_wait3A_328 = arith.constant 0 : i32
      %dma_wait3A_329 = arith.constant 1 : i32
      %dma_wait3A_330 = arith.constant 0 : i32
      %dma_wait3A_331 = tpu.memref_slice %arg9[%dma_wait3A_329, %dma_wait3A_330] : memref<2x128xi32, #tpu.memory_space<vmem>> -> memref<1x128xi32, #tpu.memory_space<vmem>>
      %dma_wait3A_332 = tpu.memref_squeeze %dma_wait3A_331 : memref<1x128xi32, #tpu.memory_space<vmem>> -> memref<128xi32, #tpu.memory_space<vmem>>
      %dma_wait3A_333 = arith.constant 0 : i32
      %dma_wait3A_334 = tpu.memref_slice %arg3[%dma_wait3A_327, %dma_wait3A_328, %dma_wait3A_333] : memref<2x2500x128xi32, #tpu.memory_space<hbm>> -> memref<1x1x128xi32, #tpu.memory_space<hbm>>
      %dma_wait3A_335 = tpu.memref_squeeze %dma_wait3A_334 : memref<1x1x128xi32, #tpu.memory_space<hbm>> -> memref<128xi32, #tpu.memory_space<hbm>>
      %dma_wait3A_336 = arith.constant 0 : i32
      %dma_wait3A_337 = tpu.memref_slice %arg9[%dma_wait3A_329, %dma_wait3A_336] : memref<2x128xi32, #tpu.memory_space<vmem>> -> memref<1x128xi32, #tpu.memory_space<vmem>>
      %dma_wait3A_338 = tpu.memref_squeeze %dma_wait3A_337 : memref<1x128xi32, #tpu.memory_space<vmem>> -> memref<128xi32, #tpu.memory_space<vmem>>
      %dma_wait3A_339 = arith.constant 0 : i32
      %dma_wait3A_340 = tpu.memref_slice %arg3[%dma_wait3A_327, %dma_wait3A_328, %dma_wait3A_339] : memref<2x2500x128xi32, #tpu.memory_space<hbm>> -> memref<1x1x128xi32, #tpu.memory_space<hbm>>
      %dma_wait3A_341 = tpu.memref_squeeze %dma_wait3A_340 : memref<1x1x128xi32, #tpu.memory_space<hbm>> -> memref<128xi32, #tpu.memory_space<hbm>>
      tpu.wait_dma2 semaphore(%arg20 : memref<!tpu.dma_semaphore, #tpu.memory_space<semaphore_mem>>) src(%dma_wait3A_341 : memref<128xi32, #tpu.memory_space<hbm>>) dst(%dma_wait3A_338 : memref<128xi32, #tpu.memory_space<vmem>>)
      %dma_start3A_342 = arith.constant 0 : i32
      %dma_start3A_343 = arith.constant 0 : i32
      %dma_start3A_344 = tpu.memref_slice %arg9[%dma_start3A_342, %dma_start3A_343] : memref<2x128xi32, #tpu.memory_space<vmem>> -> memref<1x128xi32, #tpu.memory_space<vmem>>
      %dma_start3A_345 = tpu.memref_squeeze %dma_start3A_344 : memref<1x128xi32, #tpu.memory_space<vmem>> -> memref<128xi32, #tpu.memory_space<vmem>>
      %dma_start3A_346 = arith.constant 0 : i32
      %dma_start3A_347 = arith.constant 0 : i32
      %dma_start3A_348 = tpu.memref_slice %arg2[%dma_start3A_346, %dma_start3A_347] : memref<10000x128xf32, #tpu.memory_space<hbm>> -> memref<10000x128xf32, #tpu.memory_space<hbm>>
      tpu.enqueue_indirect_dma source(%dma_start3A_348 : memref<10000x128xf32, #tpu.memory_space<hbm>>) target(%arg13 : memref<128x128xf32, #tpu.memory_space<vmem>>) offsets(%dma_start3A_345 : memref<128xi32, #tpu.memory_space<vmem>>) semaphore(%arg18 : memref<!tpu.dma_semaphore, #tpu.memory_space<semaphore_mem>>)
      %dma_wait3A_349 = arith.constant 0 : i32
      %dma_wait3A_350 = arith.constant 0 : i32
      %dma_wait3A_351 = tpu.memref_slice %arg9[%dma_wait3A_349, %dma_wait3A_350] : memref<2x128xi32, #tpu.memory_space<vmem>> -> memref<1x128xi32, #tpu.memory_space<vmem>>
      %dma_wait3A_352 = tpu.memref_squeeze %dma_wait3A_351 : memref<1x128xi32, #tpu.memory_space<vmem>> -> memref<128xi32, #tpu.memory_space<vmem>>
      %dma_wait3A_353 = arith.constant 0 : i32
      %dma_wait3A_354 = arith.constant 0 : i32
      %dma_wait3A_355 = tpu.memref_slice %arg2[%dma_wait3A_353, %dma_wait3A_354] : memref<10000x128xf32, #tpu.memory_space<hbm>> -> memref<10000x128xf32, #tpu.memory_space<hbm>>
      tpu.wait_indirect_dma semaphore(%arg18 : memref<!tpu.dma_semaphore, #tpu.memory_space<semaphore_mem>>) src(%dma_wait3A_355 : memref<10000x128xf32, #tpu.memory_space<hbm>>) dst(%arg13 : memref<128x128xf32, #tpu.memory_space<vmem>>)
      %run_scoped3A_356 = arith.constant 1 : i32
      "tpu.region"() ({
        %run_scoped3A_358 = tpu.sem_alloc : memref<!tpu.dma_semaphore, #tpu.memory_space<semaphore_mem>>
        %dma_start3A_359 = arith.constant 0 : i32
        %dma_start3A_360 = tpu.memref_slice %arg9[%run_scoped3A_356, %dma_start3A_359] : memref<2x128xi32, #tpu.memory_space<vmem>> -> memref<1x128xi32, #tpu.memory_space<vmem>>
        %dma_start3A_361 = tpu.memref_squeeze %dma_start3A_360 : memref<1x128xi32, #tpu.memory_space<vmem>> -> memref<128xi32, #tpu.memory_space<vmem>>
        %dma_start3A_362 = arith.constant 0 : i32
        %dma_start3A_363 = arith.constant 0 : i32
        %dma_start3A_364 = tpu.memref_slice %arg16[%dma_start3A_362, %dma_start3A_363] : memref<10112x128xf32, #tpu.memory_space<vmem_shared>> -> memref<10112x128xf32, #tpu.memory_space<vmem_shared>>
        tpu.enqueue_indirect_dma source(%arg13 : memref<128x128xf32, #tpu.memory_space<vmem>>) target(%dma_start3A_364 : memref<10112x128xf32, #tpu.memory_space<vmem_shared>>) offsets(%dma_start3A_361 : memref<128xi32, #tpu.memory_space<vmem>>) semaphore(%run_scoped3A_358 : memref<!tpu.dma_semaphore, #tpu.memory_space<semaphore_mem>>) {add = true}
        %dma_wait3A_365 = arith.constant 0 : i32
        %dma_wait3A_366 = tpu.memref_slice %arg9[%run_scoped3A_356, %dma_wait3A_365] : memref<2x128xi32, #tpu.memory_space<vmem>> -> memref<1x128xi32, #tpu.memory_space<vmem>>
        %dma_wait3A_367 = tpu.memref_squeeze %dma_wait3A_366 : memref<1x128xi32, #tpu.memory_space<vmem>> -> memref<128xi32, #tpu.memory_space<vmem>>
        %dma_wait3A_368 = arith.constant 0 : i32
        %dma_wait3A_369 = arith.constant 0 : i32
        %dma_wait3A_370 = tpu.memref_slice %arg16[%dma_wait3A_368, %dma_wait3A_369] : memref<10112x128xf32, #tpu.memory_space<vmem_shared>> -> memref<10112x128xf32, #tpu.memory_space<vmem_shared>>
        tpu.wait_indirect_dma semaphore(%run_scoped3A_358 : memref<!tpu.dma_semaphore, #tpu.memory_space<semaphore_mem>>) src(%arg13 : memref<128x128xf32, #tpu.memory_space<vmem>>) dst(%dma_wait3A_370 : memref<10112x128xf32, #tpu.memory_space<vmem_shared>>)
        tpu.yield
      }) : () -> ()
      %run_scoped3A_357 = arith.constant 1 : i32
      "tpu.region"() ({
        %run_scoped3A_358 = tpu.sem_alloc : memref<!tpu.dma_semaphore, #tpu.memory_space<semaphore_mem>>
        %dma_start3A_359 = arith.constant 0 : i32
        %dma_start3A_360 = tpu.memref_slice %arg9[%run_scoped3A_357, %dma_start3A_359] : memref<2x128xi32, #tpu.memory_space<vmem>> -> memref<1x128xi32, #tpu.memory_space<vmem>>
        %dma_start3A_361 = tpu.memref_squeeze %dma_start3A_360 : memref<1x128xi32, #tpu.memory_space<vmem>> -> memref<128xi32, #tpu.memory_space<vmem>>
        %dma_start3A_362 = arith.constant 0 : i32
        %dma_start3A_363 = arith.constant 0 : i32
        %dma_start3A_364 = tpu.memref_slice %arg17[%dma_start3A_362, %dma_start3A_363] : memref<10112x16xf32, #tpu.memory_space<vmem_shared>> -> memref<10112x16xf32, #tpu.memory_space<vmem_shared>>
        tpu.enqueue_indirect_dma source(%arg15 : memref<128x16xf32, #tpu.memory_space<vmem>>) target(%dma_start3A_364 : memref<10112x16xf32, #tpu.memory_space<vmem_shared>>) offsets(%dma_start3A_361 : memref<128xi32, #tpu.memory_space<vmem>>) semaphore(%run_scoped3A_358 : memref<!tpu.dma_semaphore, #tpu.memory_space<semaphore_mem>>) {add = true}
        %dma_wait3A_365 = arith.constant 0 : i32
        %dma_wait3A_366 = tpu.memref_slice %arg9[%run_scoped3A_357, %dma_wait3A_365] : memref<2x128xi32, #tpu.memory_space<vmem>> -> memref<1x128xi32, #tpu.memory_space<vmem>>
        %dma_wait3A_367 = tpu.memref_squeeze %dma_wait3A_366 : memref<1x128xi32, #tpu.memory_space<vmem>> -> memref<128xi32, #tpu.memory_space<vmem>>
        %dma_wait3A_368 = arith.constant 0 : i32
        %dma_wait3A_369 = arith.constant 0 : i32
        %dma_wait3A_370 = tpu.memref_slice %arg17[%dma_wait3A_368, %dma_wait3A_369] : memref<10112x16xf32, #tpu.memory_space<vmem_shared>> -> memref<10112x16xf32, #tpu.memory_space<vmem_shared>>
        tpu.wait_indirect_dma semaphore(%run_scoped3A_358 : memref<!tpu.dma_semaphore, #tpu.memory_space<semaphore_mem>>) src(%arg15 : memref<128x16xf32, #tpu.memory_space<vmem>>) dst(%dma_wait3A_370 : memref<10112x16xf32, #tpu.memory_space<vmem_shared>>)
        tpu.yield
      }) : () -> ()
    } else {
    }
    %barrier3A_281 = arith.constant 0 : index
    tpu.barrier barrier_id(%barrier3A_281)
    "tpu.region"() ({
      %run_scoped3A_282 = tpu.sem_alloc : memref<!tpu.dma_semaphore, #tpu.memory_space<semaphore_mem>>
      %dma_start3A_283 = arith.constant 0 : i32
      %dma_start3A_284 = tpu.memref_slice %arg7[%arg0, %multiple_of3A, %dma_start3A_283] : memref<2x10112x128xf32, #tpu.memory_space<hbm>> -> memref<1x632x128xf32, #tpu.memory_space<hbm>>
      %dma_start3A_285 = tpu.memref_squeeze %dma_start3A_284 : memref<1x632x128xf32, #tpu.memory_space<hbm>> -> memref<632x128xf32, #tpu.memory_space<hbm>>
      %dma_start3A_286 = arith.constant 0 : i32
      %dma_start3A_287 = tpu.memref_slice %arg16[%multiple_of3A, %dma_start3A_286] : memref<10112x128xf32, #tpu.memory_space<vmem_shared>> -> memref<632x128xf32, #tpu.memory_space<vmem_shared>>
      tpu.enqueue_dma source(%dma_start3A_287 : memref<632x128xf32, #tpu.memory_space<vmem_shared>>) target(%dma_start3A_285 : memref<632x128xf32, #tpu.memory_space<hbm>>) target_semaphore(%run_scoped3A_282 : memref<!tpu.dma_semaphore, #tpu.memory_space<semaphore_mem>>)
      %dma_wait3A_288 = arith.constant 0 : i32
      %dma_wait3A_289 = tpu.memref_slice %arg7[%arg0, %multiple_of3A, %dma_wait3A_288] : memref<2x10112x128xf32, #tpu.memory_space<hbm>> -> memref<1x632x128xf32, #tpu.memory_space<hbm>>
      %dma_wait3A_290 = tpu.memref_squeeze %dma_wait3A_289 : memref<1x632x128xf32, #tpu.memory_space<hbm>> -> memref<632x128xf32, #tpu.memory_space<hbm>>
      %dma_wait3A_291 = arith.constant 0 : i32
      %dma_wait3A_292 = tpu.memref_slice %arg16[%multiple_of3A, %dma_wait3A_291] : memref<10112x128xf32, #tpu.memory_space<vmem_shared>> -> memref<632x128xf32, #tpu.memory_space<vmem_shared>>
      tpu.wait_dma2 semaphore(%run_scoped3A_282 : memref<!tpu.dma_semaphore, #tpu.memory_space<semaphore_mem>>) src(%dma_wait3A_292 : memref<632x128xf32, #tpu.memory_space<vmem_shared>>) dst(%dma_wait3A_290 : memref<632x128xf32, #tpu.memory_space<hbm>>)
      tpu.yield
    }) : () -> ()
    "tpu.region"() ({
      %run_scoped3A_282 = tpu.sem_alloc : memref<!tpu.dma_semaphore, #tpu.memory_space<semaphore_mem>>
      %dma_start3A_283 = arith.constant 0 : i32
      %dma_start3A_284 = tpu.memref_slice %arg8[%arg0, %multiple_of3A, %dma_start3A_283] : memref<2x10112x16xf32, #tpu.memory_space<hbm>> -> memref<1x632x16xf32, #tpu.memory_space<hbm>>
      %dma_start3A_285 = tpu.memref_squeeze %dma_start3A_284 : memref<1x632x16xf32, #tpu.memory_space<hbm>> -> memref<632x16xf32, #tpu.memory_space<hbm>>
      %dma_start3A_286 = arith.constant 0 : i32
      %dma_start3A_287 = tpu.memref_slice %arg17[%multiple_of3A, %dma_start3A_286] : memref<10112x16xf32, #tpu.memory_space<vmem_shared>> -> memref<632x16xf32, #tpu.memory_space<vmem_shared>>
      tpu.enqueue_dma source(%dma_start3A_287 : memref<632x16xf32, #tpu.memory_space<vmem_shared>>) target(%dma_start3A_285 : memref<632x16xf32, #tpu.memory_space<hbm>>) target_semaphore(%run_scoped3A_282 : memref<!tpu.dma_semaphore, #tpu.memory_space<semaphore_mem>>)
      %dma_wait3A_288 = arith.constant 0 : i32
      %dma_wait3A_289 = tpu.memref_slice %arg8[%arg0, %multiple_of3A, %dma_wait3A_288] : memref<2x10112x16xf32, #tpu.memory_space<hbm>> -> memref<1x632x16xf32, #tpu.memory_space<hbm>>
      %dma_wait3A_290 = tpu.memref_squeeze %dma_wait3A_289 : memref<1x632x16xf32, #tpu.memory_space<hbm>> -> memref<632x16xf32, #tpu.memory_space<hbm>>
      %dma_wait3A_291 = arith.constant 0 : i32
      %dma_wait3A_292 = tpu.memref_slice %arg17[%multiple_of3A, %dma_wait3A_291] : memref<10112x16xf32, #tpu.memory_space<vmem_shared>> -> memref<632x16xf32, #tpu.memory_space<vmem_shared>>
      tpu.wait_dma2 semaphore(%run_scoped3A_282 : memref<!tpu.dma_semaphore, #tpu.memory_space<semaphore_mem>>) src(%dma_wait3A_292 : memref<632x16xf32, #tpu.memory_space<vmem_shared>>) dst(%dma_wait3A_290 : memref<632x16xf32, #tpu.memory_space<hbm>>)
      tpu.yield
    }) : () -> ()
    return
  }
}

module attributes {stable_mosaic.version = 14 : i64} {
  func.func @body(%arg0: i32, %arg1: memref<2x250x8x128xf32, #tpu.memory_space<vmem>>, %arg2: memref<2x2000x16xf32, #tpu.memory_space<vmem>>, %arg3: memref<2000x128xf32, #tpu.memory_space<vmem>>, %arg4: memref<128x128xf32, #tpu.memory_space<vmem>>, %arg5: memref<1x128xf32, #tpu.memory_space<vmem>>, %arg6: memref<128x128xf32, #tpu.memory_space<vmem>>, %arg7: memref<2000x128xf32, #tpu.memory_space<vmem>>) attributes {dimension_semantics = [#tpu.dimension_semantics<arbitrary>], iteration_bounds = array<i64: 5>, scalar_prefetch = 0 : i64, scratch_operands = 0 : i64, tpu.core_type = #tpu.core_type<tc>, window_params = [{transform_indices = @transform_0, window_bounds = array<i64: 2, 250, 8, 128>}, {transform_indices = @transform_1, window_bounds = array<i64: 2, 2000, 16>}, {transform_indices = @transform_2, window_bounds = array<i64: 2000, 128>}, {pipeline_mode = #tpu.pipeline_mode<synchronous>, transform_indices = @transform_3, window_bounds = array<i64: 128, 128>}, {pipeline_mode = #tpu.pipeline_mode<synchronous>, transform_indices = @transform_4, window_bounds = array<i64: 1, 128>}, {pipeline_mode = #tpu.pipeline_mode<synchronous>, transform_indices = @transform_5, window_bounds = array<i64: 128, 128>}, {transform_indices = @transform_6, window_bounds = array<i64: 2000, 128>}]} {
    %get3A = arith.constant 0 : index
    %get3A_0 = arith.constant 0 : index
    %get3A_1 = arith.constant 0 : index
    %get3A_2 = arith.constant 0 : index
    %get3A_3 = vector.load %arg1[%get3A, %get3A_0, %get3A_1, %get3A_2] : memref<2x250x8x128xf32, #tpu.memory_space<vmem>>, vector<1x250x8x128xf32>
    %get3A_4 = vector.shape_cast %get3A_3 : vector<1x250x8x128xf32> to vector<250x8x128xf32>
    %get3A_5 = arith.constant 1 : index
    %get3A_6 = arith.constant 0 : index
    %get3A_7 = arith.constant 0 : index
    %get3A_8 = arith.constant 0 : index
    %get3A_9 = vector.load %arg1[%get3A_5, %get3A_6, %get3A_7, %get3A_8] : memref<2x250x8x128xf32, #tpu.memory_space<vmem>>, vector<1x250x8x128xf32>
    %get3A_10 = vector.shape_cast %get3A_9 : vector<1x250x8x128xf32> to vector<250x8x128xf32>
    %add3A = arith.addf %get3A_4, %get3A_10 : vector<250x8x128xf32>
    %reshape3A = vector.shape_cast %add3A : vector<250x8x128xf32> to vector<2000x128xf32>
    %get3A_11 = arith.constant 0 : index
    %get3A_12 = arith.constant 0 : index
    %get3A_13 = arith.constant 0 : index
    %get3A_14 = vector.load %arg2[%get3A_11, %get3A_12, %get3A_13] : memref<2x2000x16xf32, #tpu.memory_space<vmem>>, vector<1x2000x1xf32>
    %get3A_15 = vector.shape_cast %get3A_14 : vector<1x2000x1xf32> to vector<2000x1xf32>
    %get3A_16 = arith.constant 1 : index
    %get3A_17 = arith.constant 0 : index
    %get3A_18 = arith.constant 0 : index
    %get3A_19 = vector.load %arg2[%get3A_16, %get3A_17, %get3A_18] : memref<2x2000x16xf32, #tpu.memory_space<vmem>>, vector<1x2000x1xf32>
    %get3A_20 = vector.shape_cast %get3A_19 : vector<1x2000x1xf32> to vector<2000x1xf32>
    %add3A_21 = arith.addf %get3A_15, %get3A_20 : vector<2000x1xf32>
    %max3A = arith.constant 1.000000e+00 : f32
    %max3A_22 = vector.broadcast %max3A : f32 to vector<2000x1xf32>
    %max3A_23 = arith.maximumf %add3A_21, %max3A_22 : vector<2000x1xf32>
    %div3A = vector.broadcast %max3A_23 : vector<2000x1xf32> to vector<2000x128xf32>
    %div3A_24 = arith.divf %reshape3A, %div3A : vector<2000x128xf32>
    %get3A_25 = arith.constant 0 : index
    %get3A_26 = arith.constant 0 : index
    %get3A_27 = vector.load %arg4[%get3A_25, %get3A_26] : memref<128x128xf32, #tpu.memory_space<vmem>>, vector<128x128xf32>
    %dot_general3A = arith.constant dense<0.000000e+00> : vector<2000x128xf32>
    %dot_general3A_28 = tpu.matmul %div3A_24, %get3A_27, %dot_general3A {dimension_numbers = #tpu.dot_dimension_numbers<[1], [1], [0], [0], [0, 0, 1, 0], [], []>, transpose_lhs_hint = false} : vector<2000x128xf32>, vector<128x128xf32>, vector<2000x128xf32> -> vector<2000x128xf32>
    %get3A_29 = arith.constant 0 : index
    %get3A_30 = arith.constant 0 : index
    %get3A_31 = vector.load %arg5[%get3A_29, %get3A_30] : memref<1x128xf32, #tpu.memory_space<vmem>>, vector<1x128xf32>
    %add3A_32 = vector.broadcast %get3A_31 : vector<1x128xf32> to vector<2000x128xf32>
    %add3A_33 = arith.addf %dot_general3A_28, %add3A_32 : vector<2000x128xf32>
    %get3A_34 = arith.constant 0 : index
    %get3A_35 = arith.constant 0 : index
    %get3A_36 = vector.load %arg3[%get3A_34, %get3A_35] : memref<2000x128xf32, #tpu.memory_space<vmem>>, vector<2000x128xf32>
    %get3A_37 = arith.constant 0 : index
    %get3A_38 = arith.constant 0 : index
    %get3A_39 = vector.load %arg6[%get3A_37, %get3A_38] : memref<128x128xf32, #tpu.memory_space<vmem>>, vector<128x128xf32>
    %dot_general3A_40 = arith.constant dense<0.000000e+00> : vector<2000x128xf32>
    %dot_general3A_41 = tpu.matmul %get3A_36, %get3A_39, %dot_general3A_40 {dimension_numbers = #tpu.dot_dimension_numbers<[1], [1], [0], [0], [0, 0, 1, 0], [], []>, transpose_lhs_hint = false} : vector<2000x128xf32>, vector<128x128xf32>, vector<2000x128xf32> -> vector<2000x128xf32>
    %add3A_42 = arith.addf %add3A_33, %dot_general3A_41 : vector<2000x128xf32>
    %swap3A = arith.constant 0 : index
    %swap3A_43 = arith.constant 0 : index
    %swap3A_44 = vector.load %arg7[%swap3A, %swap3A_43] : memref<2000x128xf32, #tpu.memory_space<vmem>>, vector<2000x128xf32>
    tpu.vector_store %arg7[%swap3A, %swap3A_43], %add3A_42 {strides = array<i32>} : memref<2000x128xf32, #tpu.memory_space<vmem>>, vector<2000x128xf32>,
    return
  }
  func.func @transform_0(%arg0: i32) -> (i32, i32, i32, i32) {
    %c0_i32 = arith.constant 0 : i32
    %c0_i32_0 = arith.constant 0 : i32
    %c0_i32_1 = arith.constant 0 : i32
    %c0_i32_2 = arith.constant 0 : i32
    return %c0_i32, %arg0, %c0_i32_0, %c0_i32_1 : i32, i32, i32, i32
  }
  func.func @transform_1(%arg0: i32) -> (i32, i32, i32) {
    %c0_i32 = arith.constant 0 : i32
    %c0_i32_0 = arith.constant 0 : i32
    %c0_i32_1 = arith.constant 0 : i32
    return %c0_i32, %arg0, %c0_i32_0 : i32, i32, i32
  }
  func.func @transform_2(%arg0: i32) -> (i32, i32) {
    %c0_i32 = arith.constant 0 : i32
    %c0_i32_0 = arith.constant 0 : i32
    return %arg0, %c0_i32 : i32, i32
  }
  func.func @transform_3(%arg0: i32) -> (i32, i32) {
    %c0_i32 = arith.constant 0 : i32
    %c0_i32_0 = arith.constant 0 : i32
    %c0_i32_1 = arith.constant 0 : i32
    return %c0_i32, %c0_i32_0 : i32, i32
  }
  func.func @transform_4(%arg0: i32) -> (i32, i32) {
    %c0_i32 = arith.constant 0 : i32
    %c0_i32_0 = arith.constant 0 : i32
    %c0_i32_1 = arith.constant 0 : i32
    return %c0_i32, %c0_i32_0 : i32, i32
  }
  func.func @transform_5(%arg0: i32) -> (i32, i32) {
    %c0_i32 = arith.constant 0 : i32
    %c0_i32_0 = arith.constant 0 : i32
    %c0_i32_1 = arith.constant 0 : i32
    return %c0_i32, %c0_i32_0 : i32, i32
  }
  func.func @transform_6(%arg0: i32) -> (i32, i32) {
    %c0_i32 = arith.constant 0 : i32
    %c0_i32_0 = arith.constant 0 : i32
    return %arg0, %c0_i32 : i32, i32
  }
}

</mosaic_0001>

<sc_bundles>
// kernel: kernel.4.cloned.1.call-start
scs
__scs_entry_jumppad:
0x0: {  	(pc) =	sbr.rel $0x88, $3  }
0x1: {  	(tag) =	ssettag $0x0;
	lr =	simm.s32 $0x1  }
0x2: {  	[smem:$0x3F9C] =	sst lr;
	_ =	strace $0xD0000000  }
0x3: {  	_ = 	snop  }
0x4: {  	_ = 	snop  }
0x5: {  	_ = 	snop  }
0x6: {  	_ = 	snop  }
0x7: {  	_ = 	snop  }
__scs_overlays_trampoline_lowered:
0x8: {  	[smem:$0x3FAB] =	sst s0  }
0x9: {  	[smem:$0x3FAC] =	sst s1  }
0xa: {  	[smem:$0x3FAD] =	sst s2  }
0xb: {  	[smem:$0x3FAE] =	sst s3  }
0xc: {  	[smem:$0x3FAF] =	sst s4  }
0xd: {  	[smem:$0x3FB0] =	sst s5  }
0xe: {  	[smem:$0x3FB1] =	sst s6  }
0xf: {  	[smem:$0x3FB2] =	sst s7  }
0x10: {  	[smem:$0x3FB3] =	sst s8  }
0x11: {  	[smem:$0x3FB4] =	sst s9;
	s0 =	simm.s32 @!p0 $0x0  }
0x12: {  	s1 =	sld [smem:$0x3F9A];
	s0 =	simm.s32 @p0 $0x1  }
0x13: {  	[smem:$0x3FB5] =	sst s0;
	s0 =	simm.s32 @!p1 $0x0  }
0x14: {  	s2 =	sld [smem:$0x3F99];
	s0 =	simm.s32 @p1 $0x1  }
0x15: {  	[smem:$0x3FB6] =	sst s0;
	s0 =	simm.s32 @!p2 $0x0  }
0x16: {  	s3 =	sld [smem:$0x3FDB];
	s0 =	simm.s32 @p2 $0x1  }
0x17: {  	s4 =	simm.s32 $0x1BF5;
	[smem:$0x3FB8] =	sst s0  }
0x18: {  	s0 =	sld [smem:$0x3F9B];
	_ =	swait.ge [sflag:s4], $0x0  }
0x19: {  	s7 =	sld [smem:$0x3F9C]  }
0x1a: {  	s8 =	sadd.s32 $0xFFFFE003, lr  }
0x1b: {  	s9 =	sadd.s32 $0xFFFFFEF7, lr;
	s5 =	simm.s32 $0xFFFFFFFF;
	p2 =	slt.u32 s8, $0xFFFFF086  }
0x1c: {  	p1 =	slt.u32 s9, $0xF7A;
	s5 =	simm.s32 @!p2 $0x0  }
0x1d: {  	s5 =	simm.s32 @p1 $0x1;
	p0 =	seq.s32 s7, s2  }
0x1e: {  	s7 =	smul.u32 @!p0 $0xF7A, s2;
	p2 =	seq.s32 @!p0 s5, $0x0  }
0x1f: {  	s9 =	smul.u32 $0xF7A, s1;
	s8 =	simm.s32 @!p0 $0x1BF5;
	p2 =	por !p2, p0  }
0x20: {  	[sflag:s8] =	ssyncset.s32 @!p0 $0xFFFFF086;
	s6 =	sadd.s32 @!p0 s3, s7;
	s7 =	simm.s32 @!p0 $0x108  }
0x21: {  	s3 =	sadd.s32 s3, s9;
	s6 =	sadd.s32 @!p0 $0x88, s6;
	s7 =	simm.s32 @p2 $0x1082  }
0x22: {  	[simem:s7], [sflag:s8] =	dma.local @!p0 [hbm:s6], $0xF7A  }
0x23: {  	s9 =	sor.u32 $0xD0000000, s2;
	s6 =	simm.s32 $0x108;
	_ =	swait.ge @!p0 [sflag:s8], $0x0  }
0x24: {  	s3 =	sadd.s32 $0x88, s3;
	s6 =	simm.s32 @!p1 $0x1082;
	[sflag:s4] =	ssyncset.s32 $0xFFFFF086  }
0x25: {  	[simem:s6], [sflag:s4] =	dma.local [hbm:s3], $0xF7A  }
0x26: {  	[smem:$0x3F9C] =	sst s1;
	(tag) =	ssettag s2;
	_ =	strace s9  }
0x27: {  	s1 =	sld [smem:$0x3FAC]  }
0x28: {  	s2 =	sld [smem:$0x3FAD]  }
0x29: {  	s4 =	sld [smem:$0x3FAF]  }
0x2a: {  	p0 =	seq.s32 s5, $0x0;
	s5 =	sld [smem:$0x3FB0]  }
0x2b: {  	s6 =	sld [smem:$0x3FB1]  }
0x2c: {  	s7 =	sld [smem:$0x3FB2]  }
0x2d: {  	s3 =	simm.s32 $0x108;
	s8 =	sld [smem:$0x3FB3]  }
0x2e: {  	s3 =	simm.s32 @!p0 $0x1082;
	s9 =	sld [smem:$0x3FB4]  }
0x2f: {  	lr =	sadd.s32 s0, s3;
	s0 =	sld [smem:$0x3FAB]  }
0x30: {  	s3 =	sld [smem:$0x3FAE]  }
0x31: {  	[smem:$0x3FB7] =	sst s10  }
0x32: {  	s10 =	sld [smem:$0x3FB5];
	_ =	sdelay $0x3  }
0x33: {  	p0 =	seq.s32 s10, $0x1;
	s10 =	sld [smem:$0x3FB7];
	_ =	sdelay $0x3  }
0x34: {  	[smem:$0x3FB7] =	sst s10  }
0x35: {  	s10 =	sld [smem:$0x3FB6];
	_ =	sdelay $0x3  }
0x36: {  	p1 =	seq.s32 s10, $0x1;
	s10 =	sld [smem:$0x3FB7];
	_ =	sdelay $0x3  }
0x37: {  	[smem:$0x3FB7] =	sst s10  }
0x38: {  	s10 =	sld [smem:$0x3FB8]  }
0x39: {  	_ = 	snop;
	(pc) =	sbr.ind lr, $3  }
0x3a: {  	_ = 	snop  }
0x3b: {  	_ = 	snop  }
0x3c: {  	p2 =	seq.s32 s10, $0x1;
	s10 =	sld [smem:$0x3FB7]  }
0x3d: {  	_ =	shalt  }
0x3e: {  	_ =	shalt  }
0x3f: {  	_ =	shalt  }
0x40: {  	_ =	shalt  }
0x41: {  	_ =	shalt  }
0x42: {  	_ =	shalt  }
0x43: {  	_ =	shalt  }
0x44: {  	_ =	shalt  }
0x45: {  	_ =	shalt  }
0x46: {  	_ =	shalt  }
0x47: {  	_ =	shalt  }
0x48: {  	_ =	shalt  }
0x49: {  	_ =	shalt  }
0x4a: {  	_ =	shalt  }
0x4b: {  	_ =	shalt  }
0x4c: {  	_ =	shalt  }
0x4d: {  	_ =	shalt  }
0x4e: {  	_ =	shalt  }
0x4f: {  	_ =	shalt  }
0x50: {  	_ =	shalt  }
0x51: {  	_ =	shalt  }
0x52: {  	_ =	shalt  }
0x53: {  	_ =	shalt  }
0x54: {  	_ =	shalt  }
0x55: {  	_ =	shalt  }
0x56: {  	_ =	shalt  }
0x57: {  	_ =	shalt  }
0x58: {  	_ =	shalt  }
0x59: {  	_ =	shalt  }
0x5a: {  	_ =	shalt  }
0x5b: {  	_ =	shalt  }
0x5c: {  	_ =	shalt  }
0x5d: {  	_ =	shalt  }
0x5e: {  	_ =	shalt  }
0x5f: {  	_ =	shalt  }
0x60: {  	_ =	shalt  }
0x61: {  	_ =	shalt  }
0x62: {  	_ =	shalt  }
0x63: {  	_ =	shalt  }
0x64: {  	_ =	shalt  }
0x65: {  	_ =	shalt  }
0x66: {  	_ =	shalt  }
0x67: {  	_ =	shalt  }
0x68: {  	_ =	shalt  }
0x69: {  	_ =	shalt  }
0x6a: {  	_ =	shalt  }
0x6b: {  	_ =	shalt  }
0x6c: {  	_ =	shalt  }
0x6d: {  	_ =	shalt  }
0x6e: {  	_ =	shalt  }
0x6f: {  	_ =	shalt  }
0x70: {  	_ =	shalt  }
0x71: {  	_ =	shalt  }
0x72: {  	_ =	shalt  }
0x73: {  	_ =	shalt  }
0x74: {  	_ =	shalt  }
0x75: {  	_ =	shalt  }
0x76: {  	_ =	shalt  }
0x77: {  	_ =	shalt  }
0x78: {  	_ =	shalt  }
0x79: {  	_ =	shalt  }
0x7a: {  	_ =	shalt  }
0x7b: {  	_ =	shalt  }
0x7c: {  	_ =	shalt  }
0x7d: {  	_ =	shalt  }
0x7e: {  	_ =	shalt  }
0x7f: {  	_ =	shalt  }
0x80: {  	_ =	shalt  }
0x81: {  	_ =	shalt  }
0x82: {  	_ =	shalt  }
0x83: {  	_ =	shalt  }
0x84: {  	_ =	shalt  }
0x85: {  	_ =	shalt  }
0x86: {  	_ =	shalt  }
0x87: {  	_ =	shalt  }
.Lfunc_end0:
.L_simem_size_0:
called_computation_lowered:
.L_overlay_start_0:
0x88: {  	s2 =	sld [smem:$0x3FD9]  }
0x89: {  	s3 =	sld [smem:$0x3FFE];
	_ =	sdelay $0x1  }
0x8a: {  	s1 =	srdreg.scid  }
0x8b: {  	s0 =	sand.u32 $0x1, s1  }
0x8c: {  	s17 =	sshll.u32 s0, $0xA;
	s2 =	sadd.s32 s3, s2  }
0x8d: {  	s2 =	sadd.s32 s2, s17  }
0x8e: {  	[smem:$0x3FC3] =	sst s2  }
0x8f: {  	_ = 	snop  }
0x90: {  	s2 =	sld [smem:$0x3FC9]  }
0x91: {  	s18 =	sld [smem:$0x3FD0];
	(tm) =	ssettm $0x1  }
0x92: {  	s4 =	sld [smem:$0x3FFB];
	_ =	sdelay $0x3  }
0x93: {  	_ =	strace s4  }
0x94: {  	s4 =	sld [smem:$0x3FFC];
	_ =	sdelay $0x3  }
0x95: {  	_ =	strace s4  }
0x96: {  	s4 =	sld [smem:$0x3FFD];
	_ =	sdelay $0x3  }
0x97: {  	_ =	strace s4  }
0x98: {  	_ =	strace $0x8FFFFFFF  }
0x99: {  	s19 =	sld [smem:$0x3FDB];
	_ =	sdelay $0x1  }
0x9a: {  	s5 =	simm.s32 $_scs_section_size  }
0x9b: {  	s6 =	simm.s32 $_size__tile_overlayer_lowered;
	s7 =	simm.s32 $_tile_overlayer_lowered  }
0x9c: {  	s22 =	simm.s32 $0x1BFF;
	s21 =	sshll.u32 s7, $0x1;
	s4 =	sadd.s32 s5, s19  }
0x9d: {  	s8 =	simm.s32 $0x0;
	s20 =	sshll.u32 s6, $0x1;
	s6 =	sadd.s32 s21, s4  }
0x9e: {  	[timem:s8], [sflag:s22] =	dma.local [hbm:s6], s20  }
0x9f: {  	_ =	swait.ge [sflag:s22], s20  }
0xa0: {  	s5 =	ssub.s32 $0x0, s20;
	[sflag:s22] =	ssyncset.done $0x0  }
0xa1: {  	[sflag:s22] =	ssyncadd.s32 s5;
	_ =	sdelay $0x1  }
0xa2: {  	s23 =	simm.s32 $0x1B8B  }
0xa3: {  	_ =	swait.ge [sflag:s23], $0x1  }
0xa4: {  	[sflag:s23] =	ssyncset.done $0x0  }
0xa5: {  	s25 =	simm.s32 $0x1B8E;
	s24 =	sld [smem:$0x3FFE];
	[sflag:s23] =	ssyncadd.s32 $0xFFFFFFFF  }
0xa6: {  	s26 =	simm.s32 $execute0_lowered;
	[smem:$0x3FD2] =	sst s25  }
0xa7: {  	s6 =	sshll.u32 s26, $0x1;
	_ =	strace $0x80000046;
	[dreg:$0x1] =	wrdreg $0xFFFFFFFF  }
0xa8: {  	s28 =	simm.s32 $_size_execute0_lowered;
	s4 =	sadd.s32 s4, s6;
	[dreg:$0x0] =	wrdreg $0x0  }
0xa9: {  	s6 =	sshll.u32 s28, $0x1;
	[dreg:$0x2] =	wrdreg s4  }
0xaa: {  	[dreg:$0x3] =	wrdreg s6  }
0xab: {  	[dreg:$0x4] =	wrdreg $0xC0  }
0xac: {  	_ =	task [dreg:s8], $0x5FFFF  }
0xad: {  	[dreg:$0x1] =	wrdreg $0xFFFFFFFF  }
0xae: {  	[dreg:$0x0] =	wrdreg $0x60  }
0xaf: {  	[dreg:$0x2] =	wrdreg s2  }
0xb0: {  	[dreg:$0x3] =	wrdreg s18  }
0xb1: {  	[dreg:$0x4] =	wrdreg s24  }
0xb2: {  	[dreg:$0x5] =	wrdreg $0x8C000  }
0xb3: {  	[dreg:$0x6] =	wrdreg $0x1C8000  }
0xb4: {  	[dreg:$0x7] =	wrdreg $0x9  }
0xb5: {  	_ =	task.clear_ibuf [dreg:s8], $0x8FFFF;
	_ =	strace $0x90000046  }
0xb6: {  	s29 =	simm.s32 $0x9;
	_ =	strace $0x80000048  }
0xb7: {  	_ =	swait.ge [sflag:s29], $0x1  }
0xb8: {  	[sflag:s29] =	ssyncadd.s32 $0xFFFFFFFF  }
0xb9: {  	_ =	strace $0x90000048  }
0xba: {  	_ =	sfence  }
0xbb: {  	s30 =	sld [smem:$0x0];
	_ =	sdelay $0x2  }
0xbc: {  	s31 =	sshll.u32 s1, $0xD;
	s1 =	sshrl.u32 s1, $0x2  }
0xbd: {  	s3 =	sand.u32 $0x4000, s31;
	s1 =	sadd.s32 s1, s30  }
0xbe: {  	s0 =	sor.u32 s3, s0;
	s1 =	sshll.u32 s1, $0x11  }
0xbf: {  	s0 =	sor.u32 s1, s0  }
0xc0: {  	s0 =	sadd.s32 $0x8F2B, s0  }
0xc1: {  	[sflag:s0] =	ssyncadd.remote.s32 $0x1  }
0xc2: {  	_ =	sfence.sel $0xFFFF  }
0xc3: {  	[dreg:$0x0] =	wrdreg $0xFFFFFFFF;
	(pc) =	sbr.abs _section_cstart, $3  }
0xc4: {  	[dreg:$0x1] =	wrdreg $0xFFFFFFFF  }
0xc5: {  	_ =	task.clear_ibuf [dreg:s8], $0x2FFFF;
	_ =	strace $0x9FFFFFFF  }
0xc6: {  	(tm) =	ssettm $0x7FFFFFFF  }
0xc7: {  	_ =	shalt  }
tec
execute0_lowered:
.L_overlay_start_1:
0x0: {  	(tag) =	ssettag $0x1  }
0x1: {  	s1 =	rddreg [dreg:$0x0]  }
0x2: {  	s2 =	rddreg [dreg:$0x1]  }
0x3: {  	s3 =	rddreg [dreg:$0x2]  }
0x4: {  	s4 =	rddreg [dreg:$0x3]  }
0x5: {  	s5 =	rddreg [dreg:$0x4]  }
0x6: {  	s6 =	simm.s32 $0x0;
	s18 =	stileid.u32;
	s8 =	srdreg.scid  }
0x7: {  	s28 =	simm.s32 $0x100;
	s29 =	simm.s32 $0x180;
	s30 =	simm.s32 $0x200  }
0x8: {  	s31 =	simm.s32 $0x280;
	[smem:$0x7FF] =	sst s6;
	s7 =	smul.u32 $0x13C00, s18  }
0x9: {  	s0 =	smul.u32 $0x2780, s18;
	s8 =	sand.u32 $0x1, s8;
	s12 =	sshll.u32 s18, $0x1  }
0xa: {  	s14 =	sadd.s32 $0x1800, s3;
	s15 =	smul.u32 $0x4E00, s18;
	p0 =	sgt.u32 s18, $0x1  }
0xb: {  	s18 =	simm.s32 $0x0;
	_ =	strace $0x80000047;
	s11 =	smul.u32 $0x13C000, s8  }
0xc: {  	s13 =	smul.u32 $0x27800, s8;
	s12 =	sor.u32 s8, s12;
	[dreg:$0xd] =	wrdreg s14  }
0xd: {  	s16 =	ssub.s32 $0x2, s8;
	s17 =	smul.u32 $0x2700, s8;
	s9 =	sshrl.u32 s7, $0x3  }
0xe: {  	s10 =	sshrl.u32 s0, $0x3;
	s26 =	smul.u32 $0x2700, s12;
	s9 =	sadd.s32 s9, s3  }
0xf: {  	s10 =	sadd.s32 s10, s3;
	s11 =	sadd.s32 s7, s11;
	s13 =	sadd.s32 s0, s13  }
0x10: {  	s7 =	sadd.s32 s7, s4;
	s0 =	sadd.s32 s0, s5;
	s11 =	sshrl.u32 s11, $0x3  }
0x11: {  	s13 =	sshrl.u32 s13, $0x3;
	s19 =	sshrl.u32 s26, $0x3;
	[dreg:$0x16] =	wrdreg s7  }
0x12: {  	[dreg:$0x18] =	wrdreg s0;
	s11 =	sadd.s32 s11, s3;
	s8 =	sadd.s32 s2, s19  }
0x13: {  	s3 =	sadd.s32 s13, s3;
	s20 =	sadd.s32 $0x9C40, s8;
	[dreg:$0xe] =	wrdreg s8  }
0x14: {  	s13 =	sshrl.u32 s16, $0x1;
	s21 =	sadd.s32 $0x10, s8;
	[dreg:$0xf] =	wrdreg s20  }
0x15: {  	s14 =	ssub.s32 s16, s13;
	s23 =	sadd.s32 $0x9C50, s8;
	[dreg:$0x10] =	wrdreg s21  }
0x16: {  	s13 =	sadd.s32 s17, s15;
	s24 =	sadd.s32 $0x20, s8;
	[dreg:$0x11] =	wrdreg s23  }
0x17: {  	s25 =	sadd.s32 $0x9C60, s8;
	s22 =	sadd.s32 $0x4E400, s13;
	[dreg:$0x12] =	wrdreg s24  }
0x18: {  	[dreg:$0x13] =	wrdreg s25;
	s26 =	sadd.s32 $0x4E480, s13;
	s19 =	sadd.s32 $0x280, s13  }
0x19: {  	s23 =	sadd.s32 $0x300, s13;
	s25 =	sadd.s32 $0x4E580, s13;
	s15 =	sshrl.u32 s22, $0x3  }
0x1a: {  	s17 =	sshrl.u32 s26, $0x3;
	s16 =	sshrl.u32 s19, $0x3;
	s24 =	sshrl.u32 s23, $0x3  }
0x1b: {  	s26 =	sadd.s32 $0x30, s8;
	s8 =	sadd.s32 $0x9C70, s8;
	s19 =	sshll.u32 s12, $0x4  }
0x1c: {  	s23 =	sadd.s32 $0x38000, s11;
	s11 =	simm.s32 $0x8400;
	[dreg:$0x14] =	wrdreg s26  }
0x1d: {  	s12 =	simm.s32 $0x4;
	s15 =	sadd.s32 s15, s2;
	[dreg:$0x15] =	wrdreg s8  }
0x1e: {  	s20 =	sadd.s32 s16, s2;
	s16 =	sshrl.u32 s25, $0x3;
	[dreg:$0x1c] =	wrdreg s23  }
0x1f: {  	s25 =	smax.u32 s14, $0x1;
	s26 =	sadd.s32 $0x200, s13;
	[dreg:$0x6] =	wrdreg s15  }
0x20: {  	s14 =	simm.s32 $0x1;
	s15 =	sadd.s32 s17, s2;
	[dreg:$0x8] =	wrdreg s20  }
0x21: {  	s17 =	sadd.s32 $0x4E500, s13;
	s8 =	sadd.s32 s16, s2;
	[dreg:$0x1e] =	wrdreg s25  }
0x22: {  	s16 =	sadd.s32 $0x380, s13;
	s20 =	sadd.s32 s19, s2;
	[dreg:$0x1f] =	wrdreg s26  }
0x23: {  	s26 =	simm.s32 $0x80;
	s13 =	simm.s32 $0x4400;
	[dreg:$0x7] =	wrdreg s15  }
0x24: {  	s21 =	sshrl.u32 s17, $0x3;
	s15 =	sadd.s32 s24, s2;
	[dreg:$0xb] =	wrdreg s8  }
0x25: {  	s17 =	sadd.s32 $0x6A00, s9;
	s7 =	sshrl.u32 s16, $0x3;
	[dreg:$0xa] =	wrdreg s15  }
0x26: {  	s0 =	sadd.s32 $0x13840, s20;
	s24 =	sadd.s32 $0x2E200, s3;
	[dreg:$0x17] =	wrdreg s17  }
0x27: {  	s3 =	simm.s32 $0x380;
	s9 =	simm.s32 $0x400;
	[dreg:$0x1b] =	wrdreg s0  }
0x28: {  	s16 =	simm.s32 $0x2;
	s22 =	sadd.s32 s21, s2;
	[dreg:$0x1d] =	wrdreg s24  }
0x29: {  	s7 =	sadd.s32 s7, s2;
	s21 =	sadd.s32 $0x1A00, s10;
	[dreg:$0x9] =	wrdreg s22  }
0x2a: {  	s0 =	simm.s32 $0x300;
	s10 =	simm.s32 $0x7;
	[dreg:$0x19] =	wrdreg s21  }
0x2b: {  	s15 =	simm.s32 $0x5;
	[dreg:$0xc] =	wrdreg s7;
	s22 =	sadd.s32 $0x9C00, s20  }
0x2c: {  	s17 =	simm.s32 $0x6;
	s7 =	simm.s32 $0x3;
	[dreg:$0x1a] =	wrdreg s22  }
.LBB2_1:
0x2d: {  	s8 =	rddreg [dreg:$0xe]  }
0x2e: {  	[tilespmem:s6], [sflag:$0x3] =	stream.linear.gather [hbm4b:s8+s6], $0x80, $0x38;
	[tilespmem:$0x1EF80] =	vst v63  }
0x2f: {  	s21 =	rddreg [dreg:$0xf]  }
0x30: {  	[tilespmem:s26], [sflag:$0x3] =	stream.linear.gather [hbm4b:s21+s6], $0x80, $0x38;
	[tilespmem:$0x1EF80] =	vst v63  }
0x31: {  	s22 =	rddreg [dreg:$0x10]  }
0x32: {  	[tilespmem:s28], [sflag:$0x4] =	stream.linear.gather [hbm4b:s22+s6], $0x80, $0x38;
	[tilespmem:$0x1EF80] =	vst v63  }
0x33: {  	s23 =	rddreg [dreg:$0x11]  }
0x34: {  	[tilespmem:s29], [sflag:$0x4] =	stream.linear.gather [hbm4b:s23+s6], $0x80, $0x38;
	[tilespmem:$0x1EF80] =	vst v63  }
0x35: {  	s24 =	rddreg [dreg:$0x12]  }
0x36: {  	[tilespmem:s30], [sflag:$0x5] =	stream.linear.gather [hbm4b:s24+s6], $0x80, $0x38;
	[tilespmem:$0x1EF80] =	vst v63  }
0x37: {  	s25 =	rddreg [dreg:$0x13]  }
0x38: {  	[tilespmem:s31], [sflag:$0x5] =	stream.linear.gather [hbm4b:s25+s6], $0x80, $0x38;
	[tilespmem:$0x1EF80] =	vst v63  }
0x39: {  	s19 =	rddreg [dreg:$0x14]  }
0x3a: {  	[tilespmem:s0], [sflag:$0x6] =	stream.linear.gather [hbm4b:s19+s6], $0x80, $0x38;
	[tilespmem:$0x1EF80] =	vst v63  }
0x3b: {  	s20 =	rddreg [dreg:$0x15]  }
0x3c: {  	[tilespmem:s3], [sflag:$0x6] =	stream.linear.gather [hbm4b:s20+s6], $0x80, $0x38;
	[tilespmem:$0x1EF80] =	vst v63  }
0x3d: {  	_ =	swait.ge [sflag:s7], $0x80  }
0x3e: {  	[sflag:s7] =	ssyncset.done $0x0  }
0x3f: {  	s21 =	stileid.u32;
	[sflag:s7] =	ssyncadd.s32 $0xFFFFFF80  }
0x40: {  	s19 =	sshll.u32 s21, $0x6;
	_ =	swait.ge [sflag:s7], $0x80  }
0x41: {  	s19 =	sor.u32 $0x1C07, s19;
	[sflag:s7] =	ssyncset.done $0x0;
	s22 =	rddreg [dreg:$0x16]  }
0x42: {  	s23 =	rddreg [dreg:$0x17];
	[sflag:s7] =	ssyncadd.s32 $0xFFFFFF80;
	s20 =	sshrl.u32 s22, $0x3  }
0x43: {  	[tilespmem:s9], [sflag:$0x1] =	stream.indirect.gather [hbm4b:s1+s26], $0x80, s6, s26, $0xb8;
	[tilespmem:$0x1EF80] =	vst v63  }
0x44: {  	[spmem:s20], [sflag:s19] =	dma.local [hbm:s23], $0x2780  }
0x45: {  	_ =	swait.ge [sflag:s10], $0x2780  }
0x46: {  	[sflag:s10] =	ssyncset.done $0x0;
	s24 =	rddreg [dreg:$0x18]  }
0x47: {  	s25 =	rddreg [dreg:$0x19];
	[sflag:s10] =	ssyncadd.s32 $0xFFFFD880;
	s21 =	sshrl.u32 s24, $0x3  }
0x48: {  	[spmem:s21], [sflag:s19] =	dma.local [hbm:s25], $0x4F0  }
0x49: {  	_ =	swait.ge [sflag:s10], $0x4F0  }
0x4a: {  	[sflag:s10] =	ssyncset.done $0x0  }
0x4b: {  	s22 =	rddreg [dreg:$0xd];
	[sflag:s10] =	ssyncadd.s32 $0xFFFFFB10  }
0x4c: {  	[tilespmem:s11], [sflag:$0x7] =	stream.linear.gather [hbm4b:s22+s6], $0x800, $0x38;
	[tilespmem:$0x1EF80] =	vst v63  }
0x4d: {  	_ =	swait.ge [sflag:s10], $0x800  }
0x4e: {  	[sflag:s10] =	ssyncset.done $0x0  }
0x4f: {  	[sflag:s10] =	ssyncadd.s32 $0xFFFFF800  }
0x50: {  	[bflag:$0x0] =	sbarrier.arrive $0xFFFF  }
0x51: {  	_ =	swait.ge [sflag:s12], $0x80  }
0x52: {  	[sflag:s12] =	ssyncset.done $0x0  }
0x53: {  	[sflag:s12] =	ssyncadd.s32 $0xFFFFFF80  }
0x54: {  	_ =	swait.ge [sflag:s12], $0x80  }
0x55: {  	[sflag:s12] =	ssyncset.done $0x0  }
0x56: {  	[sflag:s12] =	ssyncadd.s32 $0xFFFFFF80  }
0x57: {  	[tilespmem:s13], [sflag:$0x2] =	stream.indirect.gather [hbm4b:s1+s26], $0x80, s28, s26, $0xb8;
	[tilespmem:$0x1EF80] =	vst v63  }
0x58: {  	_ =	swait.ge [sflag:s14], $0x4000  }
0x59: {  	[sflag:s14] =	ssyncset.done $0x0  }
0x5a: {  	[sflag:s14] =	ssyncadd.s32 $0xFFFFC000  }
0x5b: {  	[spmem:s4] =	stream.indirect.scatter.add.f32 [tilespmem:s9], [sflag:$0x7], $0x80, s26, s26, $0xb8;
	[tilespmem:$0x1EF80] =	vst v63  }
0x5c: {  	_ =	swait.ge [sflag:s10], $0x4000  }
0x5d: {  	[sflag:s10] =	ssyncset.done $0x0  }
0x5e: {  	[sflag:s10] =	ssyncadd.s32 $0xFFFFC000  }
0x5f: {  	[spmem:s5] =	stream.indirect.scatter.add.f32 [tilespmem:s11], [sflag:$0x7], $0x10, s26, s26, $0xb8;
	[tilespmem:$0x1EF80] =	vst v63  }
0x60: {  	_ =	swait.ge [sflag:s10], $0x800  }
0x61: {  	s8 =	rddreg [dreg:$0x1f]  }
0x62: {  	[sflag:s10] =	ssyncset.done $0x0;
	s22 =	sshrl.u32 s8, $0x3  }
0x63: {  	s23 =	rddreg [dreg:$0x6];
	[sflag:s10] =	ssyncadd.s32 $0xFFFFF800;
	s22 =	sadd.s32 s2, s22  }
0x64: {  	[tilespmem:s6], [sflag:$0x3] =	stream.linear.gather [hbm4b:s22+s6], $0x80, $0x38;
	[tilespmem:$0x1EF80] =	vst v63  }
0x65: {  	s23 =	sadd.s32 $0x0, s23  }
0x66: {  	[tilespmem:s26], [sflag:$0x3] =	stream.linear.gather [hbm4b:s23+s6], $0x80, $0x38;
	[tilespmem:$0x1EF80] =	vst v63  }
0x67: {  	_ =	swait.ge [sflag:s15], $0x80  }
0x68: {  	[sflag:s15] =	ssyncset.done $0x0  }
0x69: {  	[sflag:s15] =	ssyncadd.s32 $0xFFFFFF80  }
0x6a: {  	_ =	swait.ge [sflag:s15], $0x80  }
0x6b: {  	[sflag:s15] =	ssyncset.done $0x0  }
0x6c: {  	[sflag:s15] =	ssyncadd.s32 $0xFFFFFF80  }
0x6d: {  	[tilespmem:s9], [sflag:$0x1] =	stream.indirect.gather [hbm4b:s1+s26], $0x80, s30, s26, $0xb8;
	[tilespmem:$0x1EF80] =	vst v63  }
0x6e: {  	_ =	swait.ge [sflag:s16], $0x4000  }
0x6f: {  	[sflag:s16] =	ssyncset.done $0x0  }
0x70: {  	[sflag:s16] =	ssyncadd.s32 $0xFFFFC000  }
0x71: {  	[spmem:s4] =	stream.indirect.scatter.add.f32 [tilespmem:s13], [sflag:$0x7], $0x80, s29, s26, $0xb8;
	[tilespmem:$0x1EF80] =	vst v63  }
0x72: {  	_ =	swait.ge [sflag:s10], $0x4000  }
0x73: {  	[sflag:s10] =	ssyncset.done $0x0  }
0x74: {  	[sflag:s10] =	ssyncadd.s32 $0xFFFFC000  }
0x75: {  	[spmem:s5] =	stream.indirect.scatter.add.f32 [tilespmem:s11], [sflag:$0x7], $0x10, s29, s26, $0xb8;
	[tilespmem:$0x1EF80] =	vst v63  }
0x76: {  	_ =	swait.ge [sflag:s10], $0x800  }
0x77: {  	s24 =	rddreg [dreg:$0x8];
	[sflag:s10] =	ssyncset.done $0x0  }
0x78: {  	s25 =	rddreg [dreg:$0x7];
	[sflag:s10] =	ssyncadd.s32 $0xFFFFF800;
	s22 =	sadd.s32 $0x0, s24  }
0x79: {  	[tilespmem:s28], [sflag:$0x4] =	stream.linear.gather [hbm4b:s22+s6], $0x80, $0x38;
	[tilespmem:$0x1EF80] =	vst v63  }
0x7a: {  	s23 =	sadd.s32 $0x0, s25  }
0x7b: {  	[tilespmem:s29], [sflag:$0x4] =	stream.linear.gather [hbm4b:s23+s6], $0x80, $0x38;
	[tilespmem:$0x1EF80] =	vst v63  }
0x7c: {  	_ =	swait.ge [sflag:s17], $0x80  }
0x7d: {  	[sflag:s17] =	ssyncset.done $0x0  }
0x7e: {  	[sflag:s17] =	ssyncadd.s32 $0xFFFFFF80  }
0x7f: {  	_ =	swait.ge [sflag:s17], $0x80  }
0x80: {  	[sflag:s17] =	ssyncset.done $0x0  }
0x81: {  	[sflag:s17] =	ssyncadd.s32 $0xFFFFFF80  }
0x82: {  	[tilespmem:s13], [sflag:$0x2] =	stream.indirect.gather [hbm4b:s1+s26], $0x80, s0, s26, $0xb8;
	[tilespmem:$0x1EF80] =	vst v63  }
0x83: {  	_ =	swait.ge [sflag:s14], $0x4000  }
0x84: {  	[sflag:s14] =	ssyncset.done $0x0  }
0x85: {  	[sflag:s14] =	ssyncadd.s32 $0xFFFFC000  }
0x86: {  	[spmem:s4] =	stream.indirect.scatter.add.f32 [tilespmem:s9], [sflag:$0x7], $0x80, s31, s26, $0xb8;
	[tilespmem:$0x1EF80] =	vst v63  }
0x87: {  	_ =	swait.ge [sflag:s10], $0x4000  }
0x88: {  	[sflag:s10] =	ssyncset.done $0x0  }
0x89: {  	[sflag:s10] =	ssyncadd.s32 $0xFFFFC000  }
0x8a: {  	[spmem:s5] =	stream.indirect.scatter.add.f32 [tilespmem:s11], [sflag:$0x7], $0x10, s31, s26, $0xb8;
	[tilespmem:$0x1EF80] =	vst v63  }
0x8b: {  	_ =	swait.ge [sflag:s10], $0x800  }
0x8c: {  	s24 =	rddreg [dreg:$0xa];
	[sflag:s10] =	ssyncset.done $0x0  }
0x8d: {  	s25 =	rddreg [dreg:$0x9];
	[sflag:s10] =	ssyncadd.s32 $0xFFFFF800;
	s22 =	sadd.s32 $0x0, s24  }
0x8e: {  	[tilespmem:s30], [sflag:$0x5] =	stream.linear.gather [hbm4b:s22+s6], $0x80, $0x38;
	[tilespmem:$0x1EF80] =	vst v63  }
0x8f: {  	s23 =	sadd.s32 $0x0, s25  }
0x90: {  	[tilespmem:s31], [sflag:$0x5] =	stream.linear.gather [hbm4b:s23+s6], $0x80, $0x38;
	[tilespmem:$0x1EF80] =	vst v63  }
0x91: {  	_ =	swait.ge [sflag:s7], $0x80  }
0x92: {  	[sflag:s7] =	ssyncset.done $0x0  }
0x93: {  	[sflag:s7] =	ssyncadd.s32 $0xFFFFFF80  }
0x94: {  	_ =	swait.ge [sflag:s7], $0x80  }
0x95: {  	[sflag:s7] =	ssyncset.done $0x0  }
0x96: {  	[sflag:s7] =	ssyncadd.s32 $0xFFFFFF80  }
0x97: {  	[tilespmem:s9], [sflag:$0x1] =	stream.indirect.gather [hbm4b:s1+s26], $0x80, s6, s26, $0xb8;
	[tilespmem:$0x1EF80] =	vst v63  }
0x98: {  	_ =	swait.ge [sflag:s16], $0x4000  }
0x99: {  	[sflag:s16] =	ssyncset.done $0x0  }
0x9a: {  	[sflag:s16] =	ssyncadd.s32 $0xFFFFC000  }
0x9b: {  	[spmem:s4] =	stream.indirect.scatter.add.f32 [tilespmem:s13], [sflag:$0x7], $0x80, s3, s26, $0xb8;
	[tilespmem:$0x1EF80] =	vst v63  }
0x9c: {  	_ =	swait.ge [sflag:s10], $0x4000  }
0x9d: {  	[sflag:s10] =	ssyncset.done $0x0  }
0x9e: {  	[sflag:s10] =	ssyncadd.s32 $0xFFFFC000  }
0x9f: {  	[spmem:s5] =	stream.indirect.scatter.add.f32 [tilespmem:s11], [sflag:$0x7], $0x10, s3, s26, $0xb8;
	[tilespmem:$0x1EF80] =	vst v63  }
0xa0: {  	_ =	swait.ge [sflag:s10], $0x800  }
0xa1: {  	s24 =	rddreg [dreg:$0xc];
	[sflag:s10] =	ssyncset.done $0x0  }
0xa2: {  	s25 =	rddreg [dreg:$0xb];
	[sflag:s10] =	ssyncadd.s32 $0xFFFFF800;
	s22 =	sadd.s32 $0x0, s24  }
0xa3: {  	[tilespmem:s0], [sflag:$0x6] =	stream.linear.gather [hbm4b:s22+s6], $0x80, $0x38;
	[tilespmem:$0x1EF80] =	vst v63  }
0xa4: {  	s23 =	sadd.s32 $0x200, s8;
	s24 =	sadd.s32 $0x0, s25;
	s22 =	simm.s32 $0x40  }
.LBB2_2:
0xa5: {  	[tilespmem:s3], [sflag:$0x6] =	stream.linear.gather [hbm4b:s24+s6], $0x80, $0x38;
	[tilespmem:$0x1EF80] =	vst v63  }
0xa6: {  	_ =	swait.ge [sflag:s12], $0x80  }
0xa7: {  	[sflag:s12] =	ssyncset.done $0x0  }
0xa8: {  	[sflag:s12] =	ssyncadd.s32 $0xFFFFFF80  }
0xa9: {  	_ =	swait.ge [sflag:s12], $0x80  }
0xaa: {  	[sflag:s12] =	ssyncset.done $0x0  }
0xab: {  	[sflag:s12] =	ssyncadd.s32 $0xFFFFFF80  }
0xac: {  	[tilespmem:s13], [sflag:$0x2] =	stream.indirect.gather [hbm4b:s1+s26], $0x80, s28, s26, $0xb8;
	[tilespmem:$0x1EF80] =	vst v63  }
0xad: {  	_ =	swait.ge [sflag:s14], $0x4000  }
0xae: {  	[sflag:s14] =	ssyncset.done $0x0  }
0xaf: {  	[sflag:s14] =	ssyncadd.s32 $0xFFFFC000  }
0xb0: {  	[spmem:s4] =	stream.indirect.scatter.add.f32 [tilespmem:s9], [sflag:$0x7], $0x80, s26, s26, $0xb8;
	[tilespmem:$0x1EF80] =	vst v63  }
0xb1: {  	_ =	swait.ge [sflag:s10], $0x4000  }
0xb2: {  	[sflag:s10] =	ssyncset.done $0x0  }
0xb3: {  	[sflag:s10] =	ssyncadd.s32 $0xFFFFC000  }
0xb4: {  	[spmem:s5] =	stream.indirect.scatter.add.f32 [tilespmem:s11], [sflag:$0x7], $0x10, s26, s26, $0xb8;
	[tilespmem:$0x1EF80] =	vst v63  }
0xb5: {  	_ =	swait.ge [sflag:s10], $0x800  }
0xb6: {  	s24 =	smov.u32 s22;
	s8 =	sshrl.u32 s23, $0x3;
	[sflag:s10] =	ssyncset.done $0x0  }
0xb7: {  	s8 =	sadd.s32 s2, s8;
	s25 =	rddreg [dreg:$0x6];
	[sflag:s10] =	ssyncadd.s32 $0xFFFFF800  }
0xb8: {  	[tilespmem:s6], [sflag:$0x3] =	stream.linear.gather [hbm4b:s8+s6], $0x80, $0x38;
	[tilespmem:$0x1EF80] =	vst v63  }
0xb9: {  	s25 =	sadd.s32 s24, s25  }
0xba: {  	[tilespmem:s26], [sflag:$0x3] =	stream.linear.gather [hbm4b:s25+s6], $0x80, $0x38;
	[tilespmem:$0x1EF80] =	vst v63  }
0xbb: {  	_ =	swait.ge [sflag:s15], $0x80  }
0xbc: {  	[sflag:s15] =	ssyncset.done $0x0  }
0xbd: {  	[sflag:s15] =	ssyncadd.s32 $0xFFFFFF80  }
0xbe: {  	_ =	swait.ge [sflag:s15], $0x80  }
0xbf: {  	[sflag:s15] =	ssyncset.done $0x0  }
0xc0: {  	[sflag:s15] =	ssyncadd.s32 $0xFFFFFF80  }
0xc1: {  	[tilespmem:s9], [sflag:$0x1] =	stream.indirect.gather [hbm4b:s1+s26], $0x80, s30, s26, $0xb8;
	[tilespmem:$0x1EF80] =	vst v63  }
0xc2: {  	_ =	swait.ge [sflag:s16], $0x4000  }
0xc3: {  	[sflag:s16] =	ssyncset.done $0x0  }
0xc4: {  	[sflag:s16] =	ssyncadd.s32 $0xFFFFC000  }
0xc5: {  	[spmem:s4] =	stream.indirect.scatter.add.f32 [tilespmem:s13], [sflag:$0x7], $0x80, s29, s26, $0xb8;
	[tilespmem:$0x1EF80] =	vst v63  }
0xc6: {  	_ =	swait.ge [sflag:s10], $0x4000  }
0xc7: {  	[sflag:s10] =	ssyncset.done $0x0  }
0xc8: {  	[sflag:s10] =	ssyncadd.s32 $0xFFFFC000  }
0xc9: {  	[spmem:s5] =	stream.indirect.scatter.add.f32 [tilespmem:s11], [sflag:$0x7], $0x10, s29, s26, $0xb8;
	[tilespmem:$0x1EF80] =	vst v63  }
0xca: {  	_ =	swait.ge [sflag:s10], $0x800  }
0xcb: {  	s8 =	rddreg [dreg:$0x8];
	[sflag:s10] =	ssyncset.done $0x0  }
0xcc: {  	s25 =	rddreg [dreg:$0x7];
	[sflag:s10] =	ssyncadd.s32 $0xFFFFF800;
	s8 =	sadd.s32 s24, s8  }
0xcd: {  	[tilespmem:s28], [sflag:$0x4] =	stream.linear.gather [hbm4b:s8+s6], $0x80, $0x38;
	[tilespmem:$0x1EF80] =	vst v63  }
0xce: {  	s25 =	sadd.s32 s24, s25  }
0xcf: {  	[tilespmem:s29], [sflag:$0x4] =	stream.linear.gather [hbm4b:s25+s6], $0x80, $0x38;
	[tilespmem:$0x1EF80] =	vst v63  }
0xd0: {  	_ =	swait.ge [sflag:s17], $0x80  }
0xd1: {  	[sflag:s17] =	ssyncset.done $0x0  }
0xd2: {  	[sflag:s17] =	ssyncadd.s32 $0xFFFFFF80  }
0xd3: {  	_ =	swait.ge [sflag:s17], $0x80  }
0xd4: {  	[sflag:s17] =	ssyncset.done $0x0  }
0xd5: {  	[sflag:s17] =	ssyncadd.s32 $0xFFFFFF80  }
0xd6: {  	[tilespmem:s13], [sflag:$0x2] =	stream.indirect.gather [hbm4b:s1+s26], $0x80, s0, s26, $0xb8;
	[tilespmem:$0x1EF80] =	vst v63  }
0xd7: {  	_ =	swait.ge [sflag:s14], $0x4000  }
0xd8: {  	[sflag:s14] =	ssyncset.done $0x0  }
0xd9: {  	[sflag:s14] =	ssyncadd.s32 $0xFFFFC000  }
0xda: {  	[spmem:s4] =	stream.indirect.scatter.add.f32 [tilespmem:s9], [sflag:$0x7], $0x80, s31, s26, $0xb8;
	[tilespmem:$0x1EF80] =	vst v63  }
0xdb: {  	_ =	swait.ge [sflag:s10], $0x4000  }
0xdc: {  	[sflag:s10] =	ssyncset.done $0x0  }
0xdd: {  	[sflag:s10] =	ssyncadd.s32 $0xFFFFC000  }
0xde: {  	[spmem:s5] =	stream.indirect.scatter.add.f32 [tilespmem:s11], [sflag:$0x7], $0x10, s31, s26, $0xb8;
	[tilespmem:$0x1EF80] =	vst v63  }
0xdf: {  	_ =	swait.ge [sflag:s10], $0x800  }
0xe0: {  	s8 =	rddreg [dreg:$0xa];
	[sflag:s10] =	ssyncset.done $0x0  }
0xe1: {  	s25 =	rddreg [dreg:$0x9];
	[sflag:s10] =	ssyncadd.s32 $0xFFFFF800;
	s8 =	sadd.s32 s24, s8  }
0xe2: {  	[tilespmem:s30], [sflag:$0x5] =	stream.linear.gather [hbm4b:s8+s6], $0x80, $0x38;
	[tilespmem:$0x1EF80] =	vst v63  }
0xe3: {  	s25 =	sadd.s32 s24, s25  }
0xe4: {  	[tilespmem:s31], [sflag:$0x5] =	stream.linear.gather [hbm4b:s25+s6], $0x80, $0x38;
	[tilespmem:$0x1EF80] =	vst v63  }
0xe5: {  	_ =	swait.ge [sflag:s7], $0x80  }
0xe6: {  	[sflag:s7] =	ssyncset.done $0x0  }
0xe7: {  	[sflag:s7] =	ssyncadd.s32 $0xFFFFFF80  }
0xe8: {  	_ =	swait.ge [sflag:s7], $0x80  }
0xe9: {  	[sflag:s7] =	ssyncset.done $0x0  }
0xea: {  	[sflag:s7] =	ssyncadd.s32 $0xFFFFFF80  }
0xeb: {  	[tilespmem:s9], [sflag:$0x1] =	stream.indirect.gather [hbm4b:s1+s26], $0x80, s6, s26, $0xb8;
	[tilespmem:$0x1EF80] =	vst v63  }
0xec: {  	_ =	swait.ge [sflag:s16], $0x4000  }
0xed: {  	[sflag:s16] =	ssyncset.done $0x0  }
0xee: {  	[sflag:s16] =	ssyncadd.s32 $0xFFFFC000  }
0xef: {  	[spmem:s4] =	stream.indirect.scatter.add.f32 [tilespmem:s13], [sflag:$0x7], $0x80, s3, s26, $0xb8;
	[tilespmem:$0x1EF80] =	vst v63  }
0xf0: {  	_ =	swait.ge [sflag:s10], $0x4000  }
0xf1: {  	[sflag:s10] =	ssyncset.done $0x0  }
0xf2: {  	p1 =	sne.s32 s22, $0x480;
	[sflag:s10] =	ssyncadd.s32 $0xFFFFC000  }
0xf3: {  	[spmem:s5] =	stream.indirect.scatter.add.f32 [tilespmem:s11], [sflag:$0x7], $0x10, s3, s26, $0xb8;
	[tilespmem:$0x1EF80] =	vst v63  }
.Ltmp0:
0xf4: {  	_ =	swait.ge [sflag:s10], $0x800;
	(pc) =	sbr.rel @p1 .LBB2_2-.Ltmp0, $4  }
0xf5: {  	s22 =	sadd.s32 $0x40, s22;
	s8 =	rddreg [dreg:$0xc]  }
0xf6: {  	s23 =	sadd.s32 $0x200, s23;
	s25 =	rddreg [dreg:$0xb];
	[sflag:s10] =	ssyncset.done $0x0  }
0xf7: {  	[sflag:s10] =	ssyncadd.s32 $0xFFFFF800;
	s8 =	sadd.s32 s24, s8;
	s24 =	sadd.s32 s24, s25  }
0xf8: {  	[tilespmem:s0], [sflag:$0x6] =	stream.linear.gather [hbm4b:s8+s6], $0x80, $0x38;
	[tilespmem:$0x1EF80] =	vst v63  }
0xf9: {  	[tilespmem:s3], [sflag:$0x6] =	stream.linear.gather [hbm4b:s24+s6], $0x80, $0x38;
	[tilespmem:$0x1EF80] =	vst v63  }
0xfa: {  	_ =	swait.ge [sflag:s12], $0x80  }
0xfb: {  	[sflag:s12] =	ssyncset.done $0x0  }
0xfc: {  	[sflag:s12] =	ssyncadd.s32 $0xFFFFFF80  }
0xfd: {  	_ =	swait.ge [sflag:s12], $0x80  }
0xfe: {  	[sflag:s12] =	ssyncset.done $0x0  }
0xff: {  	[sflag:s12] =	ssyncadd.s32 $0xFFFFFF80  }
0x100: {  	[tilespmem:s13], [sflag:$0x2] =	stream.indirect.gather [hbm4b:s1+s26], $0x80, s28, s26, $0xb8;
	[tilespmem:$0x1EF80] =	vst v63  }
0x101: {  	_ =	swait.ge [sflag:s14], $0x4000  }
0x102: {  	[sflag:s14] =	ssyncset.done $0x0  }
0x103: {  	[sflag:s14] =	ssyncadd.s32 $0xFFFFC000  }
0x104: {  	[spmem:s4] =	stream.indirect.scatter.add.f32 [tilespmem:s9], [sflag:$0x7], $0x80, s26, s26, $0xb8;
	[tilespmem:$0x1EF80] =	vst v63  }
0x105: {  	_ =	swait.ge [sflag:s10], $0x4000  }
0x106: {  	[sflag:s10] =	ssyncset.done $0x0  }
0x107: {  	[sflag:s10] =	ssyncadd.s32 $0xFFFFC000  }
0x108: {  	[spmem:s5] =	stream.indirect.scatter.add.f32 [tilespmem:s11], [sflag:$0x7], $0x10, s26, s26, $0xb8;
	[tilespmem:$0x1EF80] =	vst v63  }
0x109: {  	_ =	swait.ge [sflag:s10], $0x800  }
0x10a: {  	[sflag:s10] =	ssyncset.done $0x0  }
0x10b: {  	[sflag:s10] =	ssyncadd.s32 $0xFFFFF800  }
0x10c: {  	_ =	swait.ge [sflag:s16], $0x4000  }
0x10d: {  	[sflag:s16] =	ssyncset.done $0x0  }
0x10e: {  	[sflag:s16] =	ssyncadd.s32 $0xFFFFC000  }
0x10f: {  	[spmem:s4] =	stream.indirect.scatter.add.f32 [tilespmem:s13], [sflag:$0x7], $0x80, s29, s26, $0xb8;
	[tilespmem:$0x1EF80] =	vst v63  }
0x110: {  	_ =	swait.ge [sflag:s10], $0x4000  }
0x111: {  	[sflag:s10] =	ssyncset.done $0x0  }
0x112: {  	[sflag:s10] =	ssyncadd.s32 $0xFFFFC000  }
0x113: {  	[spmem:s5] =	stream.indirect.scatter.add.f32 [tilespmem:s11], [sflag:$0x7], $0x10, s29, s26, $0xb8;
	[tilespmem:$0x1EF80] =	vst v63  }
0x114: {  	_ =	swait.ge [sflag:s10], $0x800  }
0x115: {  	[sflag:s10] =	ssyncset.done $0x0  }
0x116: {  	[sflag:s10] =	ssyncadd.s32 $0xFFFFF800  }
0x117: {  	_ =	swait.ge [sflag:s15], $0x80  }
0x118: {  	[sflag:s15] =	ssyncset.done $0x0  }
0x119: {  	[sflag:s15] =	ssyncadd.s32 $0xFFFFFF80  }
0x11a: {  	_ =	swait.ge [sflag:s15], $0x80  }
0x11b: {  	[sflag:s15] =	ssyncset.done $0x0  }
0x11c: {  	[sflag:s15] =	ssyncadd.s32 $0xFFFFFF80  }
0x11d: {  	_ =	swait.ge [sflag:s17], $0x80  }
0x11e: {  	[sflag:s17] =	ssyncset.done $0x0  }
0x11f: {  	[sflag:s17] =	ssyncadd.s32 $0xFFFFFF80  }
0x120: {  	_ =	swait.ge [sflag:s17], $0x80  }
0x121: {  	[sflag:s17] =	ssyncset.done $0x0  }
0x122: {  	s8 =	simm.s32 @!p0 $0x0;
	s22 =	rddreg [dreg:$0x1a];
	[sflag:s17] =	ssyncadd.s32 $0xFFFFFF80  }
0x123: {  	[tilespmem:s8], [sflag:$0x3] =	stream.linear.gather @!p0 [hbm4b:s22+s8], $0x80, $0x38;
	[tilespmem:$0x1EF80] =	vst v63  }
0x124: {  	s23 =	rddreg [dreg:$0x1b];
	s22 =	simm.s32 @!p0 $0x80  }
0x125: {  	[tilespmem:s22], [sflag:$0x3] =	stream.linear.gather @!p0 [hbm4b:s23+s8], $0x80, $0x38;
	[tilespmem:$0x1EF80] =	vst v63  }
0x126: {  	s23 =	simm.s32 @!p0 $0x3  }
0x127: {  	_ =	swait.ge @!p0 [sflag:s23], $0x80  }
0x128: {  	[sflag:s23] =	ssyncset.done @!p0 $0x0  }
0x129: {  	[sflag:s23] =	ssyncadd.s32 @!p0 $0xFFFFFF80  }
0x12a: {  	_ =	swait.ge @!p0 [sflag:s23], $0x80  }
0x12b: {  	[sflag:s23] =	ssyncset.done @!p0 $0x0  }
0x12c: {  	[sflag:s23] =	ssyncadd.s32 @!p0 $0xFFFFFF80;
	s23 =	simm.s32 @!p0 $0x400  }
0x12d: {  	[tilespmem:s23], [sflag:$0x1] =	stream.indirect.gather @!p0 [hbm4b:s1+s22], $0x80, s8, s22, $0xb8;
	[tilespmem:$0x1EF80] =	vst v63  }
0x12e: {  	s8 =	simm.s32 @!p0 $0x1  }
0x12f: {  	_ =	swait.ge @!p0 [sflag:s8], $0x4000  }
0x130: {  	[sflag:s8] =	ssyncset.done @!p0 $0x0  }
0x131: {  	[sflag:s8] =	ssyncadd.s32 @!p0 $0xFFFFC000;
	s8 =	simm.s32 @!p0 $0x7  }
0x132: {  	[spmem:s4] =	stream.indirect.scatter.add.f32 @!p0 [tilespmem:s23], [sflag:$0x7], $0x80, s22, s22, $0xb8;
	[tilespmem:$0x1EF80] =	vst v63  }
0x133: {  	_ =	swait.ge @!p0 [sflag:s8], $0x4000  }
0x134: {  	[sflag:s8] =	ssyncset.done @!p0 $0x0  }
0x135: {  	s23 =	simm.s32 @!p0 $0x8400;
	[sflag:s8] =	ssyncadd.s32 @!p0 $0xFFFFC000  }
0x136: {  	[spmem:s5] =	stream.indirect.scatter.add.f32 @!p0 [tilespmem:s23], [sflag:$0x7], $0x10, s22, s22, $0xb8;
	[tilespmem:$0x1EF80] =	vst v63  }
0x137: {  	_ =	swait.ge @!p0 [sflag:s8], $0x800  }
0x138: {  	[sflag:s8] =	ssyncset.done @!p0 $0x0  }
0x139: {  	[sflag:s8] =	ssyncadd.s32 @!p0 $0xFFFFF800  }
0x13a: {  	[bflag:$0x0] =	sbarrier.arrive $0xFFFF  }
0x13b: {  	s23 =	rddreg [dreg:$0x1c]  }
0x13c: {  	[hbm:s23], [sflag:s19] =	dma.local [spmem:s20], $0x2780  }
0x13d: {  	_ =	swait.ge [sflag:s10], $0x2780  }
0x13e: {  	[sflag:s10] =	ssyncset.done $0x0  }
0x13f: {  	s24 =	rddreg [dreg:$0x1d];
	[sflag:s10] =	ssyncadd.s32 $0xFFFFD880  }
0x140: {  	[hbm:s24], [sflag:s19] =	dma.local [spmem:s21], $0x4F0  }
0x141: {  	_ =	swait.ge [sflag:s10], $0x4F0  }
0x142: {  	s18 =	sadd.s32 $0x1, s18;
	s25 =	rddreg [dreg:$0x1e]  }
0x143: {  	p1 =	sne.s32 s18, s25  }
.Ltmp1:
0x144: {  	_ = 	snop;
	(pc) =	sbr.rel @p1 .LBB2_1-.Ltmp1, $3  }
0x145: {  	_ =	sdelay $0x1  }
0x146: {  	[sflag:s10] =	ssyncset.done $0x0  }
0x147: {  	[sflag:s10] =	ssyncadd.s32 $0xFFFFFB10  }
0x148: {  	_ =	sfence.sel $0x180000  }
0x149: {  	[bflag:$0x0] =	sbarrier.arrive $0xFFFF  }
0x14a: {  	_ =	strace $0x90000047  }
0x14b: {  	s0 =	stileid.u32;
	[bflag:$0x2] =	sbarrier.arrive $0xFFFF  }
0x14c: {  	p0 =	sne.s32 s0, $0x0;
	s0 =	rddreg [dreg:$0x5]  }
0x14d: {  	s0 =	sadd.s32 @!p0 $0x100000, s0  }
0x14e: {  	[sflag:s0] =	ssyncadd.tile.s32 @!p0 $0x1;
	_ =	shalt  }
.Lfunc_end2:
_tile_overlayer_lowered:
.L_overlay_start_2:
0x14f: {  	(tag) =	ssettag $0x2  }
0x150: {  	s0 =	rddreg [dreg:$0x0];
	s2 =	stileid.u32  }
0x151: {  	s1 =	rddreg [dreg:$0x1];
	p0 =	sne.s32 s2, $0x0  }
0x152: {  	s3 =	rddreg [dreg:$0x2];
	[bflag:$0x3] =	sbarrier.arrive $0xFFFF;
	s2 =	simm.s32 @!p0 $0x1C07  }
0x153: {  	[timem:s3], [sflag:s2] =	dma.local @!p0 [hbm:s0], s1  }
0x154: {  	s0 =	simm.s32 @!p0 $0x7  }
0x155: {  	_ =	swait.ge @!p0 [sflag:s0], s1  }
0x156: {  	s1 =	ssub.s32 @!p0 $0x0, s1;
	[sflag:s0] =	ssyncset.done @!p0 $0x0  }
0x157: {  	[sflag:s0] =	ssyncadd.s32 @!p0 s1  }
0x158: {  	[bflag:$0x3] =	sbarrier.arrive $0xFFFF  }
0x159: {  	_ =	shalt  }

</sc_bundles>
